<compile_context>
chip_gen: v7x
topology: tpu7x:2x2x1
jax: 0.10.2.dev20260603
libtpu: 0.0.44.dev20260713+nightly
codegen_flags: <defaults>
</compile_context>

<pallas_src>
import functools

import jax
import jax.numpy as jnp
from jax import lax
from jax.experimental import pallas as pl
from jax.experimental.pallas import tpu as pltpu
from jax.experimental.pallas import tpu_sc as plsc

NBUF = 4
LOOKAHEAD = 2


@functools.cache
def _make_gather(b: int, h: int, vocab: int, d: int):
    info = plsc.get_sparse_core_info()
    nc, ns = info.num_cores, info.num_subcores
    nw = nc * ns
    rows_per_w = b // nw
    n_chunks = rows_per_w
    assert b % nw == 0 and n_chunks % NBUF == 0 and n_chunks >= 2 * NBUF

    mesh = plsc.VectorSubcoreMesh(core_axis_name="c", subcore_axis_name="s")

    @functools.partial(
        pl.kernel,
        out_type=jax.ShapeDtypeStruct((b, h, d), jnp.float32),
        mesh=mesh,
        compiler_params=pltpu.CompilerParams(use_tc_tiling_on_sc=False),
        scratch_types=[
            pltpu.VMEM((rows_per_w, h), jnp.int32),
            pltpu.VMEM((NBUF, h, d), jnp.float32),
            [pltpu.SemaphoreType.DMA] * NBUF,
            [pltpu.SemaphoreType.DMA] * NBUF,
        ],
    )
    def gather_kernel(idx_hbm, table_hbm, out_hbm, idx_v, rows_v, gsems, wsems):
        wid = lax.axis_index("s") * nc + lax.axis_index("c")
        base = wid * rows_per_w

        pltpu.sync_copy(idx_hbm.at[pl.ds(base, rows_per_w)], idx_v)

        def gather(j, bf):
            return pltpu.make_async_copy(
                table_hbm.at[idx_v.at[j]], rows_v.at[bf], gsems[bf]
            )

        def write(j, bf):
            return pltpu.make_async_copy(
                rows_v.at[bf], out_hbm.at[base + j], wsems[bf]
            )

        def consume(j):
            bf = j % NBUF
            gather(j, bf).wait()
            write(j, bf).start()
            jn = j + LOOKAHEAD
            if jn < n_chunks:
                bn = jn % NBUF
                if jn - NBUF >= 0:
                    write(jn - NBUF, bn).wait()
                gather(jn, bn).start()

        for j in range(LOOKAHEAD):
            gather(j, j % NBUF).start()

        head = NBUF
        tail = ((n_chunks - LOOKAHEAD) // NBUF) * NBUF
        for j in range(head):
            consume(j)

        @pl.loop(head, tail, step=NBUF)
        def _(j0):
            for boff in range(NBUF):
                j = j0 + boff
                bf = boff
                gather(j, bf).wait()
                write(j, bf).start()
                jn = j + LOOKAHEAD
                bn = (bf + LOOKAHEAD) % NBUF
                write(jn - NBUF, bn).wait()
                gather(jn, bn).start()

        for j in range(tail, n_chunks):
            consume(j)

        for j in range(n_chunks - NBUF, n_chunks):
            write(j, j % NBUF).wait()

    return gather_kernel


def kernel(inputs, table):
    b, h, _ = inputs.shape
    vocab, d = table.shape
    idx = inputs[:, :, 0].astype(jnp.int32)
    return _make_gather(b, h, vocab, d)(idx, table)

# --- scband reference (transcript-rebuilt; emitter-appended) ---
"""Pipeline reference for scband-sequence-encoder-3255585210835 (READ-ONLY COPY).

The authoritative reference and input builder live on the scoring server;
editing this copy changes nothing except your own understanding.
"""

import jax, jax.numpy as jnp
import numpy as np

VOCAB = 1000000
EMBED_DIM = 64
BATCH = 4096
HIST = 200

def setup_inputs(seed: int = 0) -> dict:
    key = jax.random.key(seed)
    k1, k2 = jax.random.split(key)
    inputs = jax.random.randint(k1, (BATCH, HIST, 1), 0, VOCAB)
    table = jax.random.normal(k2, (VOCAB, EMBED_DIM), dtype=jnp.float32) * 0.02
    return {"inputs": inputs, "table": table}

def reference(inputs, table):
    # SequenceEncoder.call: squeeze trailing axis, then embedding lookup.
    idx = jnp.squeeze(inputs, axis=-1)            # [B, L]
    embedded_seq = jnp.take(table, idx, axis=0)   # [B, L, D] -- keras.layers.Embedding gather
    # encode() is abstract in the base class; identity passthrough of the
    # embedded sequence is the faithful base-class computation.
    return embedded_seq

if __name__ == "__main__":
    import jax
    _d = setup_inputs()
    print(jax.jit(kernel)(*tuple(_d.values())))

</pallas_src>

<mosaic_0001>
#map = affine_map<(d0, d1) -> (0, 0)>
#map1 = affine_map<(d0, d1) -> (0, 0, 0)>
module attributes {stable_mosaic.version = 14 : i64} {
  func.func @gather_kernel(%arg0: i32, %arg1: i32, %arg2: memref<4096x200xi32, #tpu.memory_space<hbm>>, %arg3: memref<1000000x64xf32, #tpu.memory_space<hbm>>, %arg4: memref<4096x200x64xf32, #tpu.memory_space<hbm>>, %arg5: memref<128x200xi32, #tpu.memory_space<vmem>>, %arg6: memref<4x200x64xf32, #tpu.memory_space<vmem>>, %arg7: memref<!tpu.dma_semaphore, #tpu.memory_space<semaphore_mem>>, %arg8: memref<!tpu.dma_semaphore, #tpu.memory_space<semaphore_mem>>, %arg9: memref<!tpu.dma_semaphore, #tpu.memory_space<semaphore_mem>>, %arg10: memref<!tpu.dma_semaphore, #tpu.memory_space<semaphore_mem>>, %arg11: memref<!tpu.dma_semaphore, #tpu.memory_space<semaphore_mem>>, %arg12: memref<!tpu.dma_semaphore, #tpu.memory_space<semaphore_mem>>, %arg13: memref<!tpu.dma_semaphore, #tpu.memory_space<semaphore_mem>>, %arg14: memref<!tpu.dma_semaphore, #tpu.memory_space<semaphore_mem>>) attributes {dimension_semantics = [#tpu.dimension_semantics<core_parallel>, #tpu.dimension_semantics<subcore_parallel>], iteration_bounds = array<i64: 2, 16>, scalar_prefetch = 0 : i64, scratch_operands = 10 : i64, tpu.core_type = #tpu.core_type<sc_vector_subcore>, window_params = [{transform_indices = #map}, {transform_indices = #map}, {transform_indices = #map1}]} {
    %mul3A = arith.constant 2 : i32
    %mul3A_0 = arith.muli %arg1, %mul3A : i32
    %add3A = arith.addi %mul3A_0, %arg0 : i32
    %mul3A_1 = arith.constant 128 : i32
    %mul3A_2 = arith.muli %add3A, %mul3A_1 : i32
    "tpu.region"() ({
      %run_scoped3A = tpu.sem_alloc : memref<!tpu.dma_semaphore, #tpu.memory_space<semaphore_mem>>
      %dma_start3A_501 = arith.constant 0 : i32
      %dma_start3A_502 = tpu.memref_slice %arg2[%mul3A_2, %dma_start3A_501] : memref<4096x200xi32, #tpu.memory_space<hbm>> -> memref<128x200xi32, #tpu.memory_space<hbm>>
      %dma_start3A_503 = arith.constant 0 : i32
      %dma_start3A_504 = tpu.memref_slice %arg2[%mul3A_2, %dma_start3A_503] : memref<4096x200xi32, #tpu.memory_space<hbm>> -> memref<128x200xi32, #tpu.memory_space<hbm>>
      tpu.enqueue_dma source(%dma_start3A_504 : memref<128x200xi32, #tpu.memory_space<hbm>>) target(%arg5 : memref<128x200xi32, #tpu.memory_space<vmem>>) target_semaphore(%run_scoped3A : memref<!tpu.dma_semaphore, #tpu.memory_space<semaphore_mem>>)
      %dma_wait3A_505 = arith.constant 0 : i32
      %dma_wait3A_506 = tpu.memref_slice %arg2[%mul3A_2, %dma_wait3A_505] : memref<4096x200xi32, #tpu.memory_space<hbm>> -> memref<128x200xi32, #tpu.memory_space<hbm>>
      %dma_wait3A_507 = arith.constant 0 : i32
      %dma_wait3A_508 = tpu.memref_slice %arg2[%mul3A_2, %dma_wait3A_507] : memref<4096x200xi32, #tpu.memory_space<hbm>> -> memref<128x200xi32, #tpu.memory_space<hbm>>
      tpu.wait_dma2 semaphore(%run_scoped3A : memref<!tpu.dma_semaphore, #tpu.memory_space<semaphore_mem>>) src(%dma_wait3A_508 : memref<128x200xi32, #tpu.memory_space<hbm>>) dst(%arg5 : memref<128x200xi32, #tpu.memory_space<vmem>>)
      tpu.yield
    }) : () -> ()
    %dma_start3A = arith.constant 0 : i32
    %dma_start3A_3 = arith.constant 0 : i32
    %dma_start3A_4 = arith.constant 0 : i32
    %dma_start3A_5 = arith.constant 0 : i32
    %dma_start3A_6 = tpu.memref_slice %arg6[%dma_start3A_3, %dma_start3A_4, %dma_start3A_5] : memref<4x200x64xf32, #tpu.memory_space<vmem>> -> memref<1x200x64xf32, #tpu.memory_space<vmem>>
    %dma_start3A_7 = tpu.memref_squeeze %dma_start3A_6 : memref<1x200x64xf32, #tpu.memory_space<vmem>> -> memref<200x64xf32, #tpu.memory_space<vmem>>
    %dma_start3A_8 = arith.constant 0 : i32
    %dma_start3A_9 = tpu.memref_slice %arg5[%dma_start3A, %dma_start3A_8] : memref<128x200xi32, #tpu.memory_space<vmem>> -> memref<1x200xi32, #tpu.memory_space<vmem>>
    %dma_start3A_10 = tpu.memref_squeeze %dma_start3A_9 : memref<1x200xi32, #tpu.memory_space<vmem>> -> memref<200xi32, #tpu.memory_space<vmem>>
    %dma_start3A_11 = arith.constant 0 : i32
    %dma_start3A_12 = arith.constant 0 : i32
    %dma_start3A_13 = tpu.memref_slice %arg3[%dma_start3A_11, %dma_start3A_12] : memref<1000000x64xf32, #tpu.memory_space<hbm>> -> memref<1000000x64xf32, #tpu.memory_space<hbm>>
    tpu.enqueue_indirect_dma source(%dma_start3A_13 : memref<1000000x64xf32, #tpu.memory_space<hbm>>) target(%dma_start3A_7 : memref<200x64xf32, #tpu.memory_space<vmem>>) offsets(%dma_start3A_10 : memref<200xi32, #tpu.memory_space<vmem>>) semaphore(%arg7 : memref<!tpu.dma_semaphore, #tpu.memory_space<semaphore_mem>>)
    %dma_start3A_14 = arith.constant 1 : i32
    %dma_start3A_15 = arith.constant 1 : i32
    %dma_start3A_16 = arith.constant 0 : i32
    %dma_start3A_17 = arith.constant 0 : i32
    %dma_start3A_18 = tpu.memref_slice %arg6[%dma_start3A_15, %dma_start3A_16, %dma_start3A_17] : memref<4x200x64xf32, #tpu.memory_space<vmem>> -> memref<1x200x64xf32, #tpu.memory_space<vmem>>
    %dma_start3A_19 = tpu.memref_squeeze %dma_start3A_18 : memref<1x200x64xf32, #tpu.memory_space<vmem>> -> memref<200x64xf32, #tpu.memory_space<vmem>>
    %dma_start3A_20 = arith.constant 0 : i32
    %dma_start3A_21 = tpu.memref_slice %arg5[%dma_start3A_14, %dma_start3A_20] : memref<128x200xi32, #tpu.memory_space<vmem>> -> memref<1x200xi32, #tpu.memory_space<vmem>>
    %dma_start3A_22 = tpu.memref_squeeze %dma_start3A_21 : memref<1x200xi32, #tpu.memory_space<vmem>> -> memref<200xi32, #tpu.memory_space<vmem>>
    %dma_start3A_23 = arith.constant 0 : i32
    %dma_start3A_24 = arith.constant 0 : i32
    %dma_start3A_25 = tpu.memref_slice %arg3[%dma_start3A_23, %dma_start3A_24] : memref<1000000x64xf32, #tpu.memory_space<hbm>> -> memref<1000000x64xf32, #tpu.memory_space<hbm>>
    tpu.enqueue_indirect_dma source(%dma_start3A_25 : memref<1000000x64xf32, #tpu.memory_space<hbm>>) target(%dma_start3A_19 : memref<200x64xf32, #tpu.memory_space<vmem>>) offsets(%dma_start3A_22 : memref<200xi32, #tpu.memory_space<vmem>>) semaphore(%arg8 : memref<!tpu.dma_semaphore, #tpu.memory_space<semaphore_mem>>)
    %dma_wait3A = arith.constant 0 : i32
    %dma_wait3A_26 = arith.constant 0 : i32
    %dma_wait3A_27 = arith.constant 0 : i32
    %dma_wait3A_28 = arith.constant 0 : i32
    %dma_wait3A_29 = tpu.memref_slice %arg6[%dma_wait3A_26, %dma_wait3A_27, %dma_wait3A_28] : memref<4x200x64xf32, #tpu.memory_space<vmem>> -> memref<1x200x64xf32, #tpu.memory_space<vmem>>
    %dma_wait3A_30 = tpu.memref_squeeze %dma_wait3A_29 : memref<1x200x64xf32, #tpu.memory_space<vmem>> -> memref<200x64xf32, #tpu.memory_space<vmem>>
    %dma_wait3A_31 = arith.constant 0 : i32
    %dma_wait3A_32 = tpu.memref_slice %arg5[%dma_wait3A, %dma_wait3A_31] : memref<128x200xi32, #tpu.memory_space<vmem>> -> memref<1x200xi32, #tpu.memory_space<vmem>>
    %dma_wait3A_33 = tpu.memref_squeeze %dma_wait3A_32 : memref<1x200xi32, #tpu.memory_space<vmem>> -> memref<200xi32, #tpu.memory_space<vmem>>
    %dma_wait3A_34 = arith.constant 0 : i32
    %dma_wait3A_35 = arith.constant 0 : i32
    %dma_wait3A_36 = tpu.memref_slice %arg3[%dma_wait3A_34, %dma_wait3A_35] : memref<1000000x64xf32, #tpu.memory_space<hbm>> -> memref<1000000x64xf32, #tpu.memory_space<hbm>>
    tpu.wait_indirect_dma semaphore(%arg7 : memref<!tpu.dma_semaphore, #tpu.memory_space<semaphore_mem>>) src(%dma_wait3A_36 : memref<1000000x64xf32, #tpu.memory_space<hbm>>) dst(%dma_wait3A_30 : memref<200x64xf32, #tpu.memory_space<vmem>>)
    %add3A_37 = arith.constant 0 : i32
    %add3A_38 = arith.addi %mul3A_2, %add3A_37 : i32
    %dma_start3A_39 = arith.constant 0 : i32
    %dma_start3A_40 = arith.constant 0 : i32
    %dma_start3A_41 = arith.constant 0 : i32
    %dma_start3A_42 = tpu.memref_slice %arg6[%dma_start3A_39, %dma_start3A_40, %dma_start3A_41] : memref<4x200x64xf32, #tpu.memory_space<vmem>> -> memref<1x200x64xf32, #tpu.memory_space<vmem>>
    %dma_start3A_43 = tpu.memref_squeeze %dma_start3A_42 : memref<1x200x64xf32, #tpu.memory_space<vmem>> -> memref<200x64xf32, #tpu.memory_space<vmem>>
    %dma_start3A_44 = arith.constant 0 : i32
    %dma_start3A_45 = arith.constant 0 : i32
    %dma_start3A_46 = tpu.memref_slice %arg4[%add3A_38, %dma_start3A_44, %dma_start3A_45] : memref<4096x200x64xf32, #tpu.memory_space<hbm>> -> memref<1x200x64xf32, #tpu.memory_space<hbm>>
    %dma_start3A_47 = tpu.memref_squeeze %dma_start3A_46 : memref<1x200x64xf32, #tpu.memory_space<hbm>> -> memref<200x64xf32, #tpu.memory_space<hbm>>
    %dma_start3A_48 = arith.constant 0 : i32
    %dma_start3A_49 = arith.constant 0 : i32
    %dma_start3A_50 = tpu.memref_slice %arg4[%add3A_38, %dma_start3A_48, %dma_start3A_49] : memref<4096x200x64xf32, #tpu.memory_space<hbm>> -> memref<1x200x64xf32, #tpu.memory_space<hbm>>
    %dma_start3A_51 = tpu.memref_squeeze %dma_start3A_50 : memref<1x200x64xf32, #tpu.memory_space<hbm>> -> memref<200x64xf32, #tpu.memory_space<hbm>>
    %dma_start3A_52 = arith.constant 0 : i32
    %dma_start3A_53 = arith.constant 0 : i32
    %dma_start3A_54 = tpu.memref_slice %arg6[%dma_start3A_39, %dma_start3A_52, %dma_start3A_53] : memref<4x200x64xf32, #tpu.memory_space<vmem>> -> memref<1x200x64xf32, #tpu.memory_space<vmem>>
    %dma_start3A_55 = tpu.memref_squeeze %dma_start3A_54 : memref<1x200x64xf32, #tpu.memory_space<vmem>> -> memref<200x64xf32, #tpu.memory_space<vmem>>
    tpu.enqueue_dma source(%dma_start3A_55 : memref<200x64xf32, #tpu.memory_space<vmem>>) target(%dma_start3A_51 : memref<200x64xf32, #tpu.memory_space<hbm>>) target_semaphore(%arg11 : memref<!tpu.dma_semaphore, #tpu.memory_space<semaphore_mem>>)
    %dma_start3A_56 = arith.constant 2 : i32
    %dma_start3A_57 = arith.constant 2 : i32
    %dma_start3A_58 = arith.constant 0 : i32
    %dma_start3A_59 = arith.constant 0 : i32
    %dma_start3A_60 = tpu.memref_slice %arg6[%dma_start3A_57, %dma_start3A_58, %dma_start3A_59] : memref<4x200x64xf32, #tpu.memory_space<vmem>> -> memref<1x200x64xf32, #tpu.memory_space<vmem>>
    %dma_start3A_61 = tpu.memref_squeeze %dma_start3A_60 : memref<1x200x64xf32, #tpu.memory_space<vmem>> -> memref<200x64xf32, #tpu.memory_space<vmem>>
    %dma_start3A_62 = arith.constant 0 : i32
    %dma_start3A_63 = tpu.memref_slice %arg5[%dma_start3A_56, %dma_start3A_62] : memref<128x200xi32, #tpu.memory_space<vmem>> -> memref<1x200xi32, #tpu.memory_space<vmem>>
    %dma_start3A_64 = tpu.memref_squeeze %dma_start3A_63 : memref<1x200xi32, #tpu.memory_space<vmem>> -> memref<200xi32, #tpu.memory_space<vmem>>
    %dma_start3A_65 = arith.constant 0 : i32
    %dma_start3A_66 = arith.constant 0 : i32
    %dma_start3A_67 = tpu.memref_slice %arg3[%dma_start3A_65, %dma_start3A_66] : memref<1000000x64xf32, #tpu.memory_space<hbm>> -> memref<1000000x64xf32, #tpu.memory_space<hbm>>
    tpu.enqueue_indirect_dma source(%dma_start3A_67 : memref<1000000x64xf32, #tpu.memory_space<hbm>>) target(%dma_start3A_61 : memref<200x64xf32, #tpu.memory_space<vmem>>) offsets(%dma_start3A_64 : memref<200xi32, #tpu.memory_space<vmem>>) semaphore(%arg9 : memref<!tpu.dma_semaphore, #tpu.memory_space<semaphore_mem>>)
    %dma_wait3A_68 = arith.constant 1 : i32
    %dma_wait3A_69 = arith.constant 1 : i32
    %dma_wait3A_70 = arith.constant 0 : i32
    %dma_wait3A_71 = arith.constant 0 : i32
    %dma_wait3A_72 = tpu.memref_slice %arg6[%dma_wait3A_69, %dma_wait3A_70, %dma_wait3A_71] : memref<4x200x64xf32, #tpu.memory_space<vmem>> -> memref<1x200x64xf32, #tpu.memory_space<vmem>>
    %dma_wait3A_73 = tpu.memref_squeeze %dma_wait3A_72 : memref<1x200x64xf32, #tpu.memory_space<vmem>> -> memref<200x64xf32, #tpu.memory_space<vmem>>
    %dma_wait3A_74 = arith.constant 0 : i32
    %dma_wait3A_75 = tpu.memref_slice %arg5[%dma_wait3A_68, %dma_wait3A_74] : memref<128x200xi32, #tpu.memory_space<vmem>> -> memref<1x200xi32, #tpu.memory_space<vmem>>
    %dma_wait3A_76 = tpu.memref_squeeze %dma_wait3A_75 : memref<1x200xi32, #tpu.memory_space<vmem>> -> memref<200xi32, #tpu.memory_space<vmem>>
    %dma_wait3A_77 = arith.constant 0 : i32
    %dma_wait3A_78 = arith.constant 0 : i32
    %dma_wait3A_79 = tpu.memref_slice %arg3[%dma_wait3A_77, %dma_wait3A_78] : memref<1000000x64xf32, #tpu.memory_space<hbm>> -> memref<1000000x64xf32, #tpu.memory_space<hbm>>
    tpu.wait_indirect_dma semaphore(%arg8 : memref<!tpu.dma_semaphore, #tpu.memory_space<semaphore_mem>>) src(%dma_wait3A_79 : memref<1000000x64xf32, #tpu.memory_space<hbm>>) dst(%dma_wait3A_73 : memref<200x64xf32, #tpu.memory_space<vmem>>)
    %add3A_80 = arith.constant 1 : i32
    %add3A_81 = arith.addi %mul3A_2, %add3A_80 : i32
    %dma_start3A_82 = arith.constant 1 : i32
    %dma_start3A_83 = arith.constant 0 : i32
    %dma_start3A_84 = arith.constant 0 : i32
    %dma_start3A_85 = tpu.memref_slice %arg6[%dma_start3A_82, %dma_start3A_83, %dma_start3A_84] : memref<4x200x64xf32, #tpu.memory_space<vmem>> -> memref<1x200x64xf32, #tpu.memory_space<vmem>>
    %dma_start3A_86 = tpu.memref_squeeze %dma_start3A_85 : memref<1x200x64xf32, #tpu.memory_space<vmem>> -> memref<200x64xf32, #tpu.memory_space<vmem>>
    %dma_start3A_87 = arith.constant 0 : i32
    %dma_start3A_88 = arith.constant 0 : i32
    %dma_start3A_89 = tpu.memref_slice %arg4[%add3A_81, %dma_start3A_87, %dma_start3A_88] : memref<4096x200x64xf32, #tpu.memory_space<hbm>> -> memref<1x200x64xf32, #tpu.memory_space<hbm>>
    %dma_start3A_90 = tpu.memref_squeeze %dma_start3A_89 : memref<1x200x64xf32, #tpu.memory_space<hbm>> -> memref<200x64xf32, #tpu.memory_space<hbm>>
    %dma_start3A_91 = arith.constant 0 : i32
    %dma_start3A_92 = arith.constant 0 : i32
    %dma_start3A_93 = tpu.memref_slice %arg4[%add3A_81, %dma_start3A_91, %dma_start3A_92] : memref<4096x200x64xf32, #tpu.memory_space<hbm>> -> memref<1x200x64xf32, #tpu.memory_space<hbm>>
    %dma_start3A_94 = tpu.memref_squeeze %dma_start3A_93 : memref<1x200x64xf32, #tpu.memory_space<hbm>> -> memref<200x64xf32, #tpu.memory_space<hbm>>
    %dma_start3A_95 = arith.constant 0 : i32
    %dma_start3A_96 = arith.constant 0 : i32
    %dma_start3A_97 = tpu.memref_slice %arg6[%dma_start3A_82, %dma_start3A_95, %dma_start3A_96] : memref<4x200x64xf32, #tpu.memory_space<vmem>> -> memref<1x200x64xf32, #tpu.memory_space<vmem>>
    %dma_start3A_98 = tpu.memref_squeeze %dma_start3A_97 : memref<1x200x64xf32, #tpu.memory_space<vmem>> -> memref<200x64xf32, #tpu.memory_space<vmem>>
    tpu.enqueue_dma source(%dma_start3A_98 : memref<200x64xf32, #tpu.memory_space<vmem>>) target(%dma_start3A_94 : memref<200x64xf32, #tpu.memory_space<hbm>>) target_semaphore(%arg12 : memref<!tpu.dma_semaphore, #tpu.memory_space<semaphore_mem>>)
    %dma_start3A_99 = arith.constant 3 : i32
    %dma_start3A_100 = arith.constant 3 : i32
    %dma_start3A_101 = arith.constant 0 : i32
    %dma_start3A_102 = arith.constant 0 : i32
    %dma_start3A_103 = tpu.memref_slice %arg6[%dma_start3A_100, %dma_start3A_101, %dma_start3A_102] : memref<4x200x64xf32, #tpu.memory_space<vmem>> -> memref<1x200x64xf32, #tpu.memory_space<vmem>>
    %dma_start3A_104 = tpu.memref_squeeze %dma_start3A_103 : memref<1x200x64xf32, #tpu.memory_space<vmem>> -> memref<200x64xf32, #tpu.memory_space<vmem>>
    %dma_start3A_105 = arith.constant 0 : i32
    %dma_start3A_106 = tpu.memref_slice %arg5[%dma_start3A_99, %dma_start3A_105] : memref<128x200xi32, #tpu.memory_space<vmem>> -> memref<1x200xi32, #tpu.memory_space<vmem>>
    %dma_start3A_107 = tpu.memref_squeeze %dma_start3A_106 : memref<1x200xi32, #tpu.memory_space<vmem>> -> memref<200xi32, #tpu.memory_space<vmem>>
    %dma_start3A_108 = arith.constant 0 : i32
    %dma_start3A_109 = arith.constant 0 : i32
    %dma_start3A_110 = tpu.memref_slice %arg3[%dma_start3A_108, %dma_start3A_109] : memref<1000000x64xf32, #tpu.memory_space<hbm>> -> memref<1000000x64xf32, #tpu.memory_space<hbm>>
    tpu.enqueue_indirect_dma source(%dma_start3A_110 : memref<1000000x64xf32, #tpu.memory_space<hbm>>) target(%dma_start3A_104 : memref<200x64xf32, #tpu.memory_space<vmem>>) offsets(%dma_start3A_107 : memref<200xi32, #tpu.memory_space<vmem>>) semaphore(%arg10 : memref<!tpu.dma_semaphore, #tpu.memory_space<semaphore_mem>>)
    %dma_wait3A_111 = arith.constant 2 : i32
    %dma_wait3A_112 = arith.constant 2 : i32
    %dma_wait3A_113 = arith.constant 0 : i32
    %dma_wait3A_114 = arith.constant 0 : i32
    %dma_wait3A_115 = tpu.memref_slice %arg6[%dma_wait3A_112, %dma_wait3A_113, %dma_wait3A_114] : memref<4x200x64xf32, #tpu.memory_space<vmem>> -> memref<1x200x64xf32, #tpu.memory_space<vmem>>
    %dma_wait3A_116 = tpu.memref_squeeze %dma_wait3A_115 : memref<1x200x64xf32, #tpu.memory_space<vmem>> -> memref<200x64xf32, #tpu.memory_space<vmem>>
    %dma_wait3A_117 = arith.constant 0 : i32
    %dma_wait3A_118 = tpu.memref_slice %arg5[%dma_wait3A_111, %dma_wait3A_117] : memref<128x200xi32, #tpu.memory_space<vmem>> -> memref<1x200xi32, #tpu.memory_space<vmem>>
    %dma_wait3A_119 = tpu.memref_squeeze %dma_wait3A_118 : memref<1x200xi32, #tpu.memory_space<vmem>> -> memref<200xi32, #tpu.memory_space<vmem>>
    %dma_wait3A_120 = arith.constant 0 : i32
    %dma_wait3A_121 = arith.constant 0 : i32
    %dma_wait3A_122 = tpu.memref_slice %arg3[%dma_wait3A_120, %dma_wait3A_121] : memref<1000000x64xf32, #tpu.memory_space<hbm>> -> memref<1000000x64xf32, #tpu.memory_space<hbm>>
    tpu.wait_indirect_dma semaphore(%arg9 : memref<!tpu.dma_semaphore, #tpu.memory_space<semaphore_mem>>) src(%dma_wait3A_122 : memref<1000000x64xf32, #tpu.memory_space<hbm>>) dst(%dma_wait3A_116 : memref<200x64xf32, #tpu.memory_space<vmem>>)
    %add3A_123 = arith.constant 2 : i32
    %add3A_124 = arith.addi %mul3A_2, %add3A_123 : i32
    %dma_start3A_125 = arith.constant 2 : i32
    %dma_start3A_126 = arith.constant 0 : i32
    %dma_start3A_127 = arith.constant 0 : i32
    %dma_start3A_128 = tpu.memref_slice %arg6[%dma_start3A_125, %dma_start3A_126, %dma_start3A_127] : memref<4x200x64xf32, #tpu.memory_space<vmem>> -> memref<1x200x64xf32, #tpu.memory_space<vmem>>
    %dma_start3A_129 = tpu.memref_squeeze %dma_start3A_128 : memref<1x200x64xf32, #tpu.memory_space<vmem>> -> memref<200x64xf32, #tpu.memory_space<vmem>>
    %dma_start3A_130 = arith.constant 0 : i32
    %dma_start3A_131 = arith.constant 0 : i32
    %dma_start3A_132 = tpu.memref_slice %arg4[%add3A_124, %dma_start3A_130, %dma_start3A_131] : memref<4096x200x64xf32, #tpu.memory_space<hbm>> -> memref<1x200x64xf32, #tpu.memory_space<hbm>>
    %dma_start3A_133 = tpu.memref_squeeze %dma_start3A_132 : memref<1x200x64xf32, #tpu.memory_space<hbm>> -> memref<200x64xf32, #tpu.memory_space<hbm>>
    %dma_start3A_134 = arith.constant 0 : i32
    %dma_start3A_135 = arith.constant 0 : i32
    %dma_start3A_136 = tpu.memref_slice %arg4[%add3A_124, %dma_start3A_134, %dma_start3A_135] : memref<4096x200x64xf32, #tpu.memory_space<hbm>> -> memref<1x200x64xf32, #tpu.memory_space<hbm>>
    %dma_start3A_137 = tpu.memref_squeeze %dma_start3A_136 : memref<1x200x64xf32, #tpu.memory_space<hbm>> -> memref<200x64xf32, #tpu.memory_space<hbm>>
    %dma_start3A_138 = arith.constant 0 : i32
    %dma_start3A_139 = arith.constant 0 : i32
    %dma_start3A_140 = tpu.memref_slice %arg6[%dma_start3A_125, %dma_start3A_138, %dma_start3A_139] : memref<4x200x64xf32, #tpu.memory_space<vmem>> -> memref<1x200x64xf32, #tpu.memory_space<vmem>>
    %dma_start3A_141 = tpu.memref_squeeze %dma_start3A_140 : memref<1x200x64xf32, #tpu.memory_space<vmem>> -> memref<200x64xf32, #tpu.memory_space<vmem>>
    tpu.enqueue_dma source(%dma_start3A_141 : memref<200x64xf32, #tpu.memory_space<vmem>>) target(%dma_start3A_137 : memref<200x64xf32, #tpu.memory_space<hbm>>) target_semaphore(%arg13 : memref<!tpu.dma_semaphore, #tpu.memory_space<semaphore_mem>>)
    %add3A_142 = arith.constant 0 : i32
    %add3A_143 = arith.addi %mul3A_2, %add3A_142 : i32
    %dma_wait3A_144 = arith.constant 0 : i32
    %dma_wait3A_145 = arith.constant 0 : i32
    %dma_wait3A_146 = arith.constant 0 : i32
    %dma_wait3A_147 = tpu.memref_slice %arg6[%dma_wait3A_144, %dma_wait3A_145, %dma_wait3A_146] : memref<4x200x64xf32, #tpu.memory_space<vmem>> -> memref<1x200x64xf32, #tpu.memory_space<vmem>>
    %dma_wait3A_148 = tpu.memref_squeeze %dma_wait3A_147 : memref<1x200x64xf32, #tpu.memory_space<vmem>> -> memref<200x64xf32, #tpu.memory_space<vmem>>
    %dma_wait3A_149 = arith.constant 0 : i32
    %dma_wait3A_150 = arith.constant 0 : i32
    %dma_wait3A_151 = tpu.memref_slice %arg4[%add3A_143, %dma_wait3A_149, %dma_wait3A_150] : memref<4096x200x64xf32, #tpu.memory_space<hbm>> -> memref<1x200x64xf32, #tpu.memory_space<hbm>>
    %dma_wait3A_152 = tpu.memref_squeeze %dma_wait3A_151 : memref<1x200x64xf32, #tpu.memory_space<hbm>> -> memref<200x64xf32, #tpu.memory_space<hbm>>
    %dma_wait3A_153 = arith.constant 0 : i32
    %dma_wait3A_154 = arith.constant 0 : i32
    %dma_wait3A_155 = tpu.memref_slice %arg4[%add3A_143, %dma_wait3A_153, %dma_wait3A_154] : memref<4096x200x64xf32, #tpu.memory_space<hbm>> -> memref<1x200x64xf32, #tpu.memory_space<hbm>>
    %dma_wait3A_156 = tpu.memref_squeeze %dma_wait3A_155 : memref<1x200x64xf32, #tpu.memory_space<hbm>> -> memref<200x64xf32, #tpu.memory_space<hbm>>
    %dma_wait3A_157 = arith.constant 0 : i32
    %dma_wait3A_158 = arith.constant 0 : i32
    %dma_wait3A_159 = tpu.memref_slice %arg6[%dma_wait3A_144, %dma_wait3A_157, %dma_wait3A_158] : memref<4x200x64xf32, #tpu.memory_space<vmem>> -> memref<1x200x64xf32, #tpu.memory_space<vmem>>
    %dma_wait3A_160 = tpu.memref_squeeze %dma_wait3A_159 : memref<1x200x64xf32, #tpu.memory_space<vmem>> -> memref<200x64xf32, #tpu.memory_space<vmem>>
    tpu.wait_dma2 semaphore(%arg11 : memref<!tpu.dma_semaphore, #tpu.memory_space<semaphore_mem>>) src(%dma_wait3A_160 : memref<200x64xf32, #tpu.memory_space<vmem>>) dst(%dma_wait3A_156 : memref<200x64xf32, #tpu.memory_space<hbm>>)
    %dma_start3A_161 = arith.constant 4 : i32
    %dma_start3A_162 = arith.constant 0 : i32
    %dma_start3A_163 = arith.constant 0 : i32
    %dma_start3A_164 = arith.constant 0 : i32
    %dma_start3A_165 = tpu.memref_slice %arg6[%dma_start3A_162, %dma_start3A_163, %dma_start3A_164] : memref<4x200x64xf32, #tpu.memory_space<vmem>> -> memref<1x200x64xf32, #tpu.memory_space<vmem>>
    %dma_start3A_166 = tpu.memref_squeeze %dma_start3A_165 : memref<1x200x64xf32, #tpu.memory_space<vmem>> -> memref<200x64xf32, #tpu.memory_space<vmem>>
    %dma_start3A_167 = arith.constant 0 : i32
    %dma_start3A_168 = tpu.memref_slice %arg5[%dma_start3A_161, %dma_start3A_167] : memref<128x200xi32, #tpu.memory_space<vmem>> -> memref<1x200xi32, #tpu.memory_space<vmem>>
    %dma_start3A_169 = tpu.memref_squeeze %dma_start3A_168 : memref<1x200xi32, #tpu.memory_space<vmem>> -> memref<200xi32, #tpu.memory_space<vmem>>
    %dma_start3A_170 = arith.constant 0 : i32
    %dma_start3A_171 = arith.constant 0 : i32
    %dma_start3A_172 = tpu.memref_slice %arg3[%dma_start3A_170, %dma_start3A_171] : memref<1000000x64xf32, #tpu.memory_space<hbm>> -> memref<1000000x64xf32, #tpu.memory_space<hbm>>
    tpu.enqueue_indirect_dma source(%dma_start3A_172 : memref<1000000x64xf32, #tpu.memory_space<hbm>>) target(%dma_start3A_166 : memref<200x64xf32, #tpu.memory_space<vmem>>) offsets(%dma_start3A_169 : memref<200xi32, #tpu.memory_space<vmem>>) semaphore(%arg7 : memref<!tpu.dma_semaphore, #tpu.memory_space<semaphore_mem>>)
    %dma_wait3A_173 = arith.constant 3 : i32
    %dma_wait3A_174 = arith.constant 3 : i32
    %dma_wait3A_175 = arith.constant 0 : i32
    %dma_wait3A_176 = arith.constant 0 : i32
    %dma_wait3A_177 = tpu.memref_slice %arg6[%dma_wait3A_174, %dma_wait3A_175, %dma_wait3A_176] : memref<4x200x64xf32, #tpu.memory_space<vmem>> -> memref<1x200x64xf32, #tpu.memory_space<vmem>>
    %dma_wait3A_178 = tpu.memref_squeeze %dma_wait3A_177 : memref<1x200x64xf32, #tpu.memory_space<vmem>> -> memref<200x64xf32, #tpu.memory_space<vmem>>
    %dma_wait3A_179 = arith.constant 0 : i32
    %dma_wait3A_180 = tpu.memref_slice %arg5[%dma_wait3A_173, %dma_wait3A_179] : memref<128x200xi32, #tpu.memory_space<vmem>> -> memref<1x200xi32, #tpu.memory_space<vmem>>
    %dma_wait3A_181 = tpu.memref_squeeze %dma_wait3A_180 : memref<1x200xi32, #tpu.memory_space<vmem>> -> memref<200xi32, #tpu.memory_space<vmem>>
    %dma_wait3A_182 = arith.constant 0 : i32
    %dma_wait3A_183 = arith.constant 0 : i32
    %dma_wait3A_184 = tpu.memref_slice %arg3[%dma_wait3A_182, %dma_wait3A_183] : memref<1000000x64xf32, #tpu.memory_space<hbm>> -> memref<1000000x64xf32, #tpu.memory_space<hbm>>
    tpu.wait_indirect_dma semaphore(%arg10 : memref<!tpu.dma_semaphore, #tpu.memory_space<semaphore_mem>>) src(%dma_wait3A_184 : memref<1000000x64xf32, #tpu.memory_space<hbm>>) dst(%dma_wait3A_178 : memref<200x64xf32, #tpu.memory_space<vmem>>)
    %add3A_185 = arith.constant 3 : i32
    %add3A_186 = arith.addi %mul3A_2, %add3A_185 : i32
    %dma_start3A_187 = arith.constant 3 : i32
    %dma_start3A_188 = arith.constant 0 : i32
    %dma_start3A_189 = arith.constant 0 : i32
    %dma_start3A_190 = tpu.memref_slice %arg6[%dma_start3A_187, %dma_start3A_188, %dma_start3A_189] : memref<4x200x64xf32, #tpu.memory_space<vmem>> -> memref<1x200x64xf32, #tpu.memory_space<vmem>>
    %dma_start3A_191 = tpu.memref_squeeze %dma_start3A_190 : memref<1x200x64xf32, #tpu.memory_space<vmem>> -> memref<200x64xf32, #tpu.memory_space<vmem>>
    %dma_start3A_192 = arith.constant 0 : i32
    %dma_start3A_193 = arith.constant 0 : i32
    %dma_start3A_194 = tpu.memref_slice %arg4[%add3A_186, %dma_start3A_192, %dma_start3A_193] : memref<4096x200x64xf32, #tpu.memory_space<hbm>> -> memref<1x200x64xf32, #tpu.memory_space<hbm>>
    %dma_start3A_195 = tpu.memref_squeeze %dma_start3A_194 : memref<1x200x64xf32, #tpu.memory_space<hbm>> -> memref<200x64xf32, #tpu.memory_space<hbm>>
    %dma_start3A_196 = arith.constant 0 : i32
    %dma_start3A_197 = arith.constant 0 : i32
    %dma_start3A_198 = tpu.memref_slice %arg4[%add3A_186, %dma_start3A_196, %dma_start3A_197] : memref<4096x200x64xf32, #tpu.memory_space<hbm>> -> memref<1x200x64xf32, #tpu.memory_space<hbm>>
    %dma_start3A_199 = tpu.memref_squeeze %dma_start3A_198 : memref<1x200x64xf32, #tpu.memory_space<hbm>> -> memref<200x64xf32, #tpu.memory_space<hbm>>
    %dma_start3A_200 = arith.constant 0 : i32
    %dma_start3A_201 = arith.constant 0 : i32
    %dma_start3A_202 = tpu.memref_slice %arg6[%dma_start3A_187, %dma_start3A_200, %dma_start3A_201] : memref<4x200x64xf32, #tpu.memory_space<vmem>> -> memref<1x200x64xf32, #tpu.memory_space<vmem>>
    %dma_start3A_203 = tpu.memref_squeeze %dma_start3A_202 : memref<1x200x64xf32, #tpu.memory_space<vmem>> -> memref<200x64xf32, #tpu.memory_space<vmem>>
    tpu.enqueue_dma source(%dma_start3A_203 : memref<200x64xf32, #tpu.memory_space<vmem>>) target(%dma_start3A_199 : memref<200x64xf32, #tpu.memory_space<hbm>>) target_semaphore(%arg14 : memref<!tpu.dma_semaphore, #tpu.memory_space<semaphore_mem>>)
    %add3A_204 = arith.constant 1 : i32
    %add3A_205 = arith.addi %mul3A_2, %add3A_204 : i32
    %dma_wait3A_206 = arith.constant 1 : i32
    %dma_wait3A_207 = arith.constant 0 : i32
    %dma_wait3A_208 = arith.constant 0 : i32
    %dma_wait3A_209 = tpu.memref_slice %arg6[%dma_wait3A_206, %dma_wait3A_207, %dma_wait3A_208] : memref<4x200x64xf32, #tpu.memory_space<vmem>> -> memref<1x200x64xf32, #tpu.memory_space<vmem>>
    %dma_wait3A_210 = tpu.memref_squeeze %dma_wait3A_209 : memref<1x200x64xf32, #tpu.memory_space<vmem>> -> memref<200x64xf32, #tpu.memory_space<vmem>>
    %dma_wait3A_211 = arith.constant 0 : i32
    %dma_wait3A_212 = arith.constant 0 : i32
    %dma_wait3A_213 = tpu.memref_slice %arg4[%add3A_205, %dma_wait3A_211, %dma_wait3A_212] : memref<4096x200x64xf32, #tpu.memory_space<hbm>> -> memref<1x200x64xf32, #tpu.memory_space<hbm>>
    %dma_wait3A_214 = tpu.memref_squeeze %dma_wait3A_213 : memref<1x200x64xf32, #tpu.memory_space<hbm>> -> memref<200x64xf32, #tpu.memory_space<hbm>>
    %dma_wait3A_215 = arith.constant 0 : i32
    %dma_wait3A_216 = arith.constant 0 : i32
    %dma_wait3A_217 = tpu.memref_slice %arg4[%add3A_205, %dma_wait3A_215, %dma_wait3A_216] : memref<4096x200x64xf32, #tpu.memory_space<hbm>> -> memref<1x200x64xf32, #tpu.memory_space<hbm>>
    %dma_wait3A_218 = tpu.memref_squeeze %dma_wait3A_217 : memref<1x200x64xf32, #tpu.memory_space<hbm>> -> memref<200x64xf32, #tpu.memory_space<hbm>>
    %dma_wait3A_219 = arith.constant 0 : i32
    %dma_wait3A_220 = arith.constant 0 : i32
    %dma_wait3A_221 = tpu.memref_slice %arg6[%dma_wait3A_206, %dma_wait3A_219, %dma_wait3A_220] : memref<4x200x64xf32, #tpu.memory_space<vmem>> -> memref<1x200x64xf32, #tpu.memory_space<vmem>>
    %dma_wait3A_222 = tpu.memref_squeeze %dma_wait3A_221 : memref<1x200x64xf32, #tpu.memory_space<vmem>> -> memref<200x64xf32, #tpu.memory_space<vmem>>
    tpu.wait_dma2 semaphore(%arg12 : memref<!tpu.dma_semaphore, #tpu.memory_space<semaphore_mem>>) src(%dma_wait3A_222 : memref<200x64xf32, #tpu.memory_space<vmem>>) dst(%dma_wait3A_218 : memref<200x64xf32, #tpu.memory_space<hbm>>)
    %dma_start3A_223 = arith.constant 5 : i32
    %dma_start3A_224 = arith.constant 1 : i32
    %dma_start3A_225 = arith.constant 0 : i32
    %dma_start3A_226 = arith.constant 0 : i32
    %dma_start3A_227 = tpu.memref_slice %arg6[%dma_start3A_224, %dma_start3A_225, %dma_start3A_226] : memref<4x200x64xf32, #tpu.memory_space<vmem>> -> memref<1x200x64xf32, #tpu.memory_space<vmem>>
    %dma_start3A_228 = tpu.memref_squeeze %dma_start3A_227 : memref<1x200x64xf32, #tpu.memory_space<vmem>> -> memref<200x64xf32, #tpu.memory_space<vmem>>
    %dma_start3A_229 = arith.constant 0 : i32
    %dma_start3A_230 = tpu.memref_slice %arg5[%dma_start3A_223, %dma_start3A_229] : memref<128x200xi32, #tpu.memory_space<vmem>> -> memref<1x200xi32, #tpu.memory_space<vmem>>
    %dma_start3A_231 = tpu.memref_squeeze %dma_start3A_230 : memref<1x200xi32, #tpu.memory_space<vmem>> -> memref<200xi32, #tpu.memory_space<vmem>>
    %dma_start3A_232 = arith.constant 0 : i32
    %dma_start3A_233 = arith.constant 0 : i32
    %dma_start3A_234 = tpu.memref_slice %arg3[%dma_start3A_232, %dma_start3A_233] : memref<1000000x64xf32, #tpu.memory_space<hbm>> -> memref<1000000x64xf32, #tpu.memory_space<hbm>>
    tpu.enqueue_indirect_dma source(%dma_start3A_234 : memref<1000000x64xf32, #tpu.memory_space<hbm>>) target(%dma_start3A_228 : memref<200x64xf32, #tpu.memory_space<vmem>>) offsets(%dma_start3A_231 : memref<200xi32, #tpu.memory_space<vmem>>) semaphore(%arg8 : memref<!tpu.dma_semaphore, #tpu.memory_space<semaphore_mem>>)
    %scan3A = arith.constant 0 : i32
    %scan3A_235 = arith.constant 30 : i32
    %scan3A_236 = arith.addi %scan3A, %scan3A_235 : i32
    %scan3A_237 = arith.constant 1 : i32
    scf.for %scan3A_501 = %scan3A to %scan3A_236 step %scan3A_237  : i32 {
      %mul3A_502 = arith.constant 4 : i32
      %mul3A_503 = arith.muli %scan3A_501, %mul3A_502 : i32
      %add3A_504 = arith.constant 4 : i32
      %add3A_505 = arith.addi %add3A_504, %mul3A_503 : i32
      %add3A_506 = arith.constant 0 : i32
      %add3A_507 = arith.addi %add3A_505, %add3A_506 : i32
      %dma_wait3A_508 = arith.constant 0 : i32
      %dma_wait3A_509 = arith.constant 0 : i32
      %dma_wait3A_510 = arith.constant 0 : i32
      %dma_wait3A_511 = tpu.memref_slice %arg6[%dma_wait3A_508, %dma_wait3A_509, %dma_wait3A_510] : memref<4x200x64xf32, #tpu.memory_space<vmem>> -> memref<1x200x64xf32, #tpu.memory_space<vmem>>
      %dma_wait3A_512 = tpu.memref_squeeze %dma_wait3A_511 : memref<1x200x64xf32, #tpu.memory_space<vmem>> -> memref<200x64xf32, #tpu.memory_space<vmem>>
      %dma_wait3A_513 = arith.constant 0 : i32
      %dma_wait3A_514 = tpu.memref_slice %arg5[%add3A_507, %dma_wait3A_513] : memref<128x200xi32, #tpu.memory_space<vmem>> -> memref<1x200xi32, #tpu.memory_space<vmem>>
      %dma_wait3A_515 = tpu.memref_squeeze %dma_wait3A_514 : memref<1x200xi32, #tpu.memory_space<vmem>> -> memref<200xi32, #tpu.memory_space<vmem>>
      %dma_wait3A_516 = arith.constant 0 : i32
      %dma_wait3A_517 = arith.constant 0 : i32
      %dma_wait3A_518 = tpu.memref_slice %arg3[%dma_wait3A_516, %dma_wait3A_517] : memref<1000000x64xf32, #tpu.memory_space<hbm>> -> memref<1000000x64xf32, #tpu.memory_space<hbm>>
      tpu.wait_indirect_dma semaphore(%arg7 : memref<!tpu.dma_semaphore, #tpu.memory_space<semaphore_mem>>) src(%dma_wait3A_518 : memref<1000000x64xf32, #tpu.memory_space<hbm>>) dst(%dma_wait3A_512 : memref<200x64xf32, #tpu.memory_space<vmem>>)
      %add3A_519 = arith.addi %mul3A_2, %add3A_507 : i32
      %dma_start3A_520 = arith.constant 0 : i32
      %dma_start3A_521 = arith.constant 0 : i32
      %dma_start3A_522 = arith.constant 0 : i32
      %dma_start3A_523 = tpu.memref_slice %arg6[%dma_start3A_520, %dma_start3A_521, %dma_start3A_522] : memref<4x200x64xf32, #tpu.memory_space<vmem>> -> memref<1x200x64xf32, #tpu.memory_space<vmem>>
      %dma_start3A_524 = tpu.memref_squeeze %dma_start3A_523 : memref<1x200x64xf32, #tpu.memory_space<vmem>> -> memref<200x64xf32, #tpu.memory_space<vmem>>
      %dma_start3A_525 = arith.constant 0 : i32
      %dma_start3A_526 = arith.constant 0 : i32
      %dma_start3A_527 = tpu.memref_slice %arg4[%add3A_519, %dma_start3A_525, %dma_start3A_526] : memref<4096x200x64xf32, #tpu.memory_space<hbm>> -> memref<1x200x64xf32, #tpu.memory_space<hbm>>
      %dma_start3A_528 = tpu.memref_squeeze %dma_start3A_527 : memref<1x200x64xf32, #tpu.memory_space<hbm>> -> memref<200x64xf32, #tpu.memory_space<hbm>>
      %dma_start3A_529 = arith.constant 0 : i32
      %dma_start3A_530 = arith.constant 0 : i32
      %dma_start3A_531 = tpu.memref_slice %arg4[%add3A_519, %dma_start3A_529, %dma_start3A_530] : memref<4096x200x64xf32, #tpu.memory_space<hbm>> -> memref<1x200x64xf32, #tpu.memory_space<hbm>>
      %dma_start3A_532 = tpu.memref_squeeze %dma_start3A_531 : memref<1x200x64xf32, #tpu.memory_space<hbm>> -> memref<200x64xf32, #tpu.memory_space<hbm>>
      %dma_start3A_533 = arith.constant 0 : i32
      %dma_start3A_534 = arith.constant 0 : i32
      %dma_start3A_535 = tpu.memref_slice %arg6[%dma_start3A_520, %dma_start3A_533, %dma_start3A_534] : memref<4x200x64xf32, #tpu.memory_space<vmem>> -> memref<1x200x64xf32, #tpu.memory_space<vmem>>
      %dma_start3A_536 = tpu.memref_squeeze %dma_start3A_535 : memref<1x200x64xf32, #tpu.memory_space<vmem>> -> memref<200x64xf32, #tpu.memory_space<vmem>>
      tpu.enqueue_dma source(%dma_start3A_536 : memref<200x64xf32, #tpu.memory_space<vmem>>) target(%dma_start3A_532 : memref<200x64xf32, #tpu.memory_space<hbm>>) target_semaphore(%arg11 : memref<!tpu.dma_semaphore, #tpu.memory_space<semaphore_mem>>)
      %add3A_537 = arith.constant 2 : i32
      %add3A_538 = arith.addi %add3A_507, %add3A_537 : i32
      %sub3A = arith.constant 4 : i32
      %sub3A_539 = arith.subi %add3A_538, %sub3A : i32
      %add3A_540 = arith.addi %mul3A_2, %sub3A_539 : i32
      %dma_wait3A_541 = arith.constant 2 : i32
      %dma_wait3A_542 = arith.constant 0 : i32
      %dma_wait3A_543 = arith.constant 0 : i32
      %dma_wait3A_544 = tpu.memref_slice %arg6[%dma_wait3A_541, %dma_wait3A_542, %dma_wait3A_543] : memref<4x200x64xf32, #tpu.memory_space<vmem>> -> memref<1x200x64xf32, #tpu.memory_space<vmem>>
      %dma_wait3A_545 = tpu.memref_squeeze %dma_wait3A_544 : memref<1x200x64xf32, #tpu.memory_space<vmem>> -> memref<200x64xf32, #tpu.memory_space<vmem>>
      %dma_wait3A_546 = arith.constant 0 : i32
      %dma_wait3A_547 = arith.constant 0 : i32
      %dma_wait3A_548 = tpu.memref_slice %arg4[%add3A_540, %dma_wait3A_546, %dma_wait3A_547] : memref<4096x200x64xf32, #tpu.memory_space<hbm>> -> memref<1x200x64xf32, #tpu.memory_space<hbm>>
      %dma_wait3A_549 = tpu.memref_squeeze %dma_wait3A_548 : memref<1x200x64xf32, #tpu.memory_space<hbm>> -> memref<200x64xf32, #tpu.memory_space<hbm>>
      %dma_wait3A_550 = arith.constant 0 : i32
      %dma_wait3A_551 = arith.constant 0 : i32
      %dma_wait3A_552 = tpu.memref_slice %arg4[%add3A_540, %dma_wait3A_550, %dma_wait3A_551] : memref<4096x200x64xf32, #tpu.memory_space<hbm>> -> memref<1x200x64xf32, #tpu.memory_space<hbm>>
      %dma_wait3A_553 = tpu.memref_squeeze %dma_wait3A_552 : memref<1x200x64xf32, #tpu.memory_space<hbm>> -> memref<200x64xf32, #tpu.memory_space<hbm>>
      %dma_wait3A_554 = arith.constant 0 : i32
      %dma_wait3A_555 = arith.constant 0 : i32
      %dma_wait3A_556 = tpu.memref_slice %arg6[%dma_wait3A_541, %dma_wait3A_554, %dma_wait3A_555] : memref<4x200x64xf32, #tpu.memory_space<vmem>> -> memref<1x200x64xf32, #tpu.memory_space<vmem>>
      %dma_wait3A_557 = tpu.memref_squeeze %dma_wait3A_556 : memref<1x200x64xf32, #tpu.memory_space<vmem>> -> memref<200x64xf32, #tpu.memory_space<vmem>>
      tpu.wait_dma2 semaphore(%arg13 : memref<!tpu.dma_semaphore, #tpu.memory_space<semaphore_mem>>) src(%dma_wait3A_557 : memref<200x64xf32, #tpu.memory_space<vmem>>) dst(%dma_wait3A_553 : memref<200x64xf32, #tpu.memory_space<hbm>>)
      %dma_start3A_558 = arith.constant 2 : i32
      %dma_start3A_559 = arith.constant 0 : i32
      %dma_start3A_560 = arith.constant 0 : i32
      %dma_start3A_561 = tpu.memref_slice %arg6[%dma_start3A_558, %dma_start3A_559, %dma_start3A_560] : memref<4x200x64xf32, #tpu.memory_space<vmem>> -> memref<1x200x64xf32, #tpu.memory_space<vmem>>
      %dma_start3A_562 = tpu.memref_squeeze %dma_start3A_561 : memref<1x200x64xf32, #tpu.memory_space<vmem>> -> memref<200x64xf32, #tpu.memory_space<vmem>>
      %dma_start3A_563 = arith.constant 0 : i32
      %dma_start3A_564 = tpu.memref_slice %arg5[%add3A_538, %dma_start3A_563] : memref<128x200xi32, #tpu.memory_space<vmem>> -> memref<1x200xi32, #tpu.memory_space<vmem>>
      %dma_start3A_565 = tpu.memref_squeeze %dma_start3A_564 : memref<1x200xi32, #tpu.memory_space<vmem>> -> memref<200xi32, #tpu.memory_space<vmem>>
      %dma_start3A_566 = arith.constant 0 : i32
      %dma_start3A_567 = arith.constant 0 : i32
      %dma_start3A_568 = tpu.memref_slice %arg3[%dma_start3A_566, %dma_start3A_567] : memref<1000000x64xf32, #tpu.memory_space<hbm>> -> memref<1000000x64xf32, #tpu.memory_space<hbm>>
      tpu.enqueue_indirect_dma source(%dma_start3A_568 : memref<1000000x64xf32, #tpu.memory_space<hbm>>) target(%dma_start3A_562 : memref<200x64xf32, #tpu.memory_space<vmem>>) offsets(%dma_start3A_565 : memref<200xi32, #tpu.memory_space<vmem>>) semaphore(%arg9 : memref<!tpu.dma_semaphore, #tpu.memory_space<semaphore_mem>>)
      %add3A_569 = arith.constant 1 : i32
      %add3A_570 = arith.addi %add3A_505, %add3A_569 : i32
      %dma_wait3A_571 = arith.constant 1 : i32
      %dma_wait3A_572 = arith.constant 0 : i32
      %dma_wait3A_573 = arith.constant 0 : i32
      %dma_wait3A_574 = tpu.memref_slice %arg6[%dma_wait3A_571, %dma_wait3A_572, %dma_wait3A_573] : memref<4x200x64xf32, #tpu.memory_space<vmem>> -> memref<1x200x64xf32, #tpu.memory_space<vmem>>
      %dma_wait3A_575 = tpu.memref_squeeze %dma_wait3A_574 : memref<1x200x64xf32, #tpu.memory_space<vmem>> -> memref<200x64xf32, #tpu.memory_space<vmem>>
      %dma_wait3A_576 = arith.constant 0 : i32
      %dma_wait3A_577 = tpu.memref_slice %arg5[%add3A_570, %dma_wait3A_576] : memref<128x200xi32, #tpu.memory_space<vmem>> -> memref<1x200xi32, #tpu.memory_space<vmem>>
      %dma_wait3A_578 = tpu.memref_squeeze %dma_wait3A_577 : memref<1x200xi32, #tpu.memory_space<vmem>> -> memref<200xi32, #tpu.memory_space<vmem>>
      %dma_wait3A_579 = arith.constant 0 : i32
      %dma_wait3A_580 = arith.constant 0 : i32
      %dma_wait3A_581 = tpu.memref_slice %arg3[%dma_wait3A_579, %dma_wait3A_580] : memref<1000000x64xf32, #tpu.memory_space<hbm>> -> memref<1000000x64xf32, #tpu.memory_space<hbm>>
      tpu.wait_indirect_dma semaphore(%arg8 : memref<!tpu.dma_semaphore, #tpu.memory_space<semaphore_mem>>) src(%dma_wait3A_581 : memref<1000000x64xf32, #tpu.memory_space<hbm>>) dst(%dma_wait3A_575 : memref<200x64xf32, #tpu.memory_space<vmem>>)
      %add3A_582 = arith.addi %mul3A_2, %add3A_570 : i32
      %dma_start3A_583 = arith.constant 1 : i32
      %dma_start3A_584 = arith.constant 0 : i32
      %dma_start3A_585 = arith.constant 0 : i32
      %dma_start3A_586 = tpu.memref_slice %arg6[%dma_start3A_583, %dma_start3A_584, %dma_start3A_585] : memref<4x200x64xf32, #tpu.memory_space<vmem>> -> memref<1x200x64xf32, #tpu.memory_space<vmem>>
      %dma_start3A_587 = tpu.memref_squeeze %dma_start3A_586 : memref<1x200x64xf32, #tpu.memory_space<vmem>> -> memref<200x64xf32, #tpu.memory_space<vmem>>
      %dma_start3A_588 = arith.constant 0 : i32
      %dma_start3A_589 = arith.constant 0 : i32
      %dma_start3A_590 = tpu.memref_slice %arg4[%add3A_582, %dma_start3A_588, %dma_start3A_589] : memref<4096x200x64xf32, #tpu.memory_space<hbm>> -> memref<1x200x64xf32, #tpu.memory_space<hbm>>
      %dma_start3A_591 = tpu.memref_squeeze %dma_start3A_590 : memref<1x200x64xf32, #tpu.memory_space<hbm>> -> memref<200x64xf32, #tpu.memory_space<hbm>>
      %dma_start3A_592 = arith.constant 0 : i32
      %dma_start3A_593 = arith.constant 0 : i32
      %dma_start3A_594 = tpu.memref_slice %arg4[%add3A_582, %dma_start3A_592, %dma_start3A_593] : memref<4096x200x64xf32, #tpu.memory_space<hbm>> -> memref<1x200x64xf32, #tpu.memory_space<hbm>>
      %dma_start3A_595 = tpu.memref_squeeze %dma_start3A_594 : memref<1x200x64xf32, #tpu.memory_space<hbm>> -> memref<200x64xf32, #tpu.memory_space<hbm>>
      %dma_start3A_596 = arith.constant 0 : i32
      %dma_start3A_597 = arith.constant 0 : i32
      %dma_start3A_598 = tpu.memref_slice %arg6[%dma_start3A_583, %dma_start3A_596, %dma_start3A_597] : memref<4x200x64xf32, #tpu.memory_space<vmem>> -> memref<1x200x64xf32, #tpu.memory_space<vmem>>
      %dma_start3A_599 = tpu.memref_squeeze %dma_start3A_598 : memref<1x200x64xf32, #tpu.memory_space<vmem>> -> memref<200x64xf32, #tpu.memory_space<vmem>>
      tpu.enqueue_dma source(%dma_start3A_599 : memref<200x64xf32, #tpu.memory_space<vmem>>) target(%dma_start3A_595 : memref<200x64xf32, #tpu.memory_space<hbm>>) target_semaphore(%arg12 : memref<!tpu.dma_semaphore, #tpu.memory_space<semaphore_mem>>)
      %add3A_600 = arith.constant 2 : i32
      %add3A_601 = arith.addi %add3A_570, %add3A_600 : i32
      %sub3A_602 = arith.constant 4 : i32
      %sub3A_603 = arith.subi %add3A_601, %sub3A_602 : i32
      %add3A_604 = arith.addi %mul3A_2, %sub3A_603 : i32
      %dma_wait3A_605 = arith.constant 3 : i32
      %dma_wait3A_606 = arith.constant 0 : i32
      %dma_wait3A_607 = arith.constant 0 : i32
      %dma_wait3A_608 = tpu.memref_slice %arg6[%dma_wait3A_605, %dma_wait3A_606, %dma_wait3A_607] : memref<4x200x64xf32, #tpu.memory_space<vmem>> -> memref<1x200x64xf32, #tpu.memory_space<vmem>>
      %dma_wait3A_609 = tpu.memref_squeeze %dma_wait3A_608 : memref<1x200x64xf32, #tpu.memory_space<vmem>> -> memref<200x64xf32, #tpu.memory_space<vmem>>
      %dma_wait3A_610 = arith.constant 0 : i32
      %dma_wait3A_611 = arith.constant 0 : i32
      %dma_wait3A_612 = tpu.memref_slice %arg4[%add3A_604, %dma_wait3A_610, %dma_wait3A_611] : memref<4096x200x64xf32, #tpu.memory_space<hbm>> -> memref<1x200x64xf32, #tpu.memory_space<hbm>>
      %dma_wait3A_613 = tpu.memref_squeeze %dma_wait3A_612 : memref<1x200x64xf32, #tpu.memory_space<hbm>> -> memref<200x64xf32, #tpu.memory_space<hbm>>
      %dma_wait3A_614 = arith.constant 0 : i32
      %dma_wait3A_615 = arith.constant 0 : i32
      %dma_wait3A_616 = tpu.memref_slice %arg4[%add3A_604, %dma_wait3A_614, %dma_wait3A_615] : memref<4096x200x64xf32, #tpu.memory_space<hbm>> -> memref<1x200x64xf32, #tpu.memory_space<hbm>>
      %dma_wait3A_617 = tpu.memref_squeeze %dma_wait3A_616 : memref<1x200x64xf32, #tpu.memory_space<hbm>> -> memref<200x64xf32, #tpu.memory_space<hbm>>
      %dma_wait3A_618 = arith.constant 0 : i32
      %dma_wait3A_619 = arith.constant 0 : i32
      %dma_wait3A_620 = tpu.memref_slice %arg6[%dma_wait3A_605, %dma_wait3A_618, %dma_wait3A_619] : memref<4x200x64xf32, #tpu.memory_space<vmem>> -> memref<1x200x64xf32, #tpu.memory_space<vmem>>
      %dma_wait3A_621 = tpu.memref_squeeze %dma_wait3A_620 : memref<1x200x64xf32, #tpu.memory_space<vmem>> -> memref<200x64xf32, #tpu.memory_space<vmem>>
      tpu.wait_dma2 semaphore(%arg14 : memref<!tpu.dma_semaphore, #tpu.memory_space<semaphore_mem>>) src(%dma_wait3A_621 : memref<200x64xf32, #tpu.memory_space<vmem>>) dst(%dma_wait3A_617 : memref<200x64xf32, #tpu.memory_space<hbm>>)
      %dma_start3A_622 = arith.constant 3 : i32
      %dma_start3A_623 = arith.constant 0 : i32
      %dma_start3A_624 = arith.constant 0 : i32
      %dma_start3A_625 = tpu.memref_slice %arg6[%dma_start3A_622, %dma_start3A_623, %dma_start3A_624] : memref<4x200x64xf32, #tpu.memory_space<vmem>> -> memref<1x200x64xf32, #tpu.memory_space<vmem>>
      %dma_start3A_626 = tpu.memref_squeeze %dma_start3A_625 : memref<1x200x64xf32, #tpu.memory_space<vmem>> -> memref<200x64xf32, #tpu.memory_space<vmem>>
      %dma_start3A_627 = arith.constant 0 : i32
      %dma_start3A_628 = tpu.memref_slice %arg5[%add3A_601, %dma_start3A_627] : memref<128x200xi32, #tpu.memory_space<vmem>> -> memref<1x200xi32, #tpu.memory_space<vmem>>
      %dma_start3A_629 = tpu.memref_squeeze %dma_start3A_628 : memref<1x200xi32, #tpu.memory_space<vmem>> -> memref<200xi32, #tpu.memory_space<vmem>>
      %dma_start3A_630 = arith.constant 0 : i32
      %dma_start3A_631 = arith.constant 0 : i32
      %dma_start3A_632 = tpu.memref_slice %arg3[%dma_start3A_630, %dma_start3A_631] : memref<1000000x64xf32, #tpu.memory_space<hbm>> -> memref<1000000x64xf32, #tpu.memory_space<hbm>>
      tpu.enqueue_indirect_dma source(%dma_start3A_632 : memref<1000000x64xf32, #tpu.memory_space<hbm>>) target(%dma_start3A_626 : memref<200x64xf32, #tpu.memory_space<vmem>>) offsets(%dma_start3A_629 : memref<200xi32, #tpu.memory_space<vmem>>) semaphore(%arg10 : memref<!tpu.dma_semaphore, #tpu.memory_space<semaphore_mem>>)
      %add3A_633 = arith.constant 2 : i32
      %add3A_634 = arith.addi %add3A_505, %add3A_633 : i32
      %dma_wait3A_635 = arith.constant 2 : i32
      %dma_wait3A_636 = arith.constant 0 : i32
      %dma_wait3A_637 = arith.constant 0 : i32
      %dma_wait3A_638 = tpu.memref_slice %arg6[%dma_wait3A_635, %dma_wait3A_636, %dma_wait3A_637] : memref<4x200x64xf32, #tpu.memory_space<vmem>> -> memref<1x200x64xf32, #tpu.memory_space<vmem>>
      %dma_wait3A_639 = tpu.memref_squeeze %dma_wait3A_638 : memref<1x200x64xf32, #tpu.memory_space<vmem>> -> memref<200x64xf32, #tpu.memory_space<vmem>>
      %dma_wait3A_640 = arith.constant 0 : i32
      %dma_wait3A_641 = tpu.memref_slice %arg5[%add3A_634, %dma_wait3A_640] : memref<128x200xi32, #tpu.memory_space<vmem>> -> memref<1x200xi32, #tpu.memory_space<vmem>>
      %dma_wait3A_642 = tpu.memref_squeeze %dma_wait3A_641 : memref<1x200xi32, #tpu.memory_space<vmem>> -> memref<200xi32, #tpu.memory_space<vmem>>
      %dma_wait3A_643 = arith.constant 0 : i32
      %dma_wait3A_644 = arith.constant 0 : i32
      %dma_wait3A_645 = tpu.memref_slice %arg3[%dma_wait3A_643, %dma_wait3A_644] : memref<1000000x64xf32, #tpu.memory_space<hbm>> -> memref<1000000x64xf32, #tpu.memory_space<hbm>>
      tpu.wait_indirect_dma semaphore(%arg9 : memref<!tpu.dma_semaphore, #tpu.memory_space<semaphore_mem>>) src(%dma_wait3A_645 : memref<1000000x64xf32, #tpu.memory_space<hbm>>) dst(%dma_wait3A_639 : memref<200x64xf32, #tpu.memory_space<vmem>>)
      %add3A_646 = arith.addi %mul3A_2, %add3A_634 : i32
      %dma_start3A_647 = arith.constant 2 : i32
      %dma_start3A_648 = arith.constant 0 : i32
      %dma_start3A_649 = arith.constant 0 : i32
      %dma_start3A_650 = tpu.memref_slice %arg6[%dma_start3A_647, %dma_start3A_648, %dma_start3A_649] : memref<4x200x64xf32, #tpu.memory_space<vmem>> -> memref<1x200x64xf32, #tpu.memory_space<vmem>>
      %dma_start3A_651 = tpu.memref_squeeze %dma_start3A_650 : memref<1x200x64xf32, #tpu.memory_space<vmem>> -> memref<200x64xf32, #tpu.memory_space<vmem>>
      %dma_start3A_652 = arith.constant 0 : i32
      %dma_start3A_653 = arith.constant 0 : i32
      %dma_start3A_654 = tpu.memref_slice %arg4[%add3A_646, %dma_start3A_652, %dma_start3A_653] : memref<4096x200x64xf32, #tpu.memory_space<hbm>> -> memref<1x200x64xf32, #tpu.memory_space<hbm>>
      %dma_start3A_655 = tpu.memref_squeeze %dma_start3A_654 : memref<1x200x64xf32, #tpu.memory_space<hbm>> -> memref<200x64xf32, #tpu.memory_space<hbm>>
      %dma_start3A_656 = arith.constant 0 : i32
      %dma_start3A_657 = arith.constant 0 : i32
      %dma_start3A_658 = tpu.memref_slice %arg4[%add3A_646, %dma_start3A_656, %dma_start3A_657] : memref<4096x200x64xf32, #tpu.memory_space<hbm>> -> memref<1x200x64xf32, #tpu.memory_space<hbm>>
      %dma_start3A_659 = tpu.memref_squeeze %dma_start3A_658 : memref<1x200x64xf32, #tpu.memory_space<hbm>> -> memref<200x64xf32, #tpu.memory_space<hbm>>
      %dma_start3A_660 = arith.constant 0 : i32
      %dma_start3A_661 = arith.constant 0 : i32
      %dma_start3A_662 = tpu.memref_slice %arg6[%dma_start3A_647, %dma_start3A_660, %dma_start3A_661] : memref<4x200x64xf32, #tpu.memory_space<vmem>> -> memref<1x200x64xf32, #tpu.memory_space<vmem>>
      %dma_start3A_663 = tpu.memref_squeeze %dma_start3A_662 : memref<1x200x64xf32, #tpu.memory_space<vmem>> -> memref<200x64xf32, #tpu.memory_space<vmem>>
      tpu.enqueue_dma source(%dma_start3A_663 : memref<200x64xf32, #tpu.memory_space<vmem>>) target(%dma_start3A_659 : memref<200x64xf32, #tpu.memory_space<hbm>>) target_semaphore(%arg13 : memref<!tpu.dma_semaphore, #tpu.memory_space<semaphore_mem>>)
      %add3A_664 = arith.constant 2 : i32
      %add3A_665 = arith.addi %add3A_634, %add3A_664 : i32
      %sub3A_666 = arith.constant 4 : i32
      %sub3A_667 = arith.subi %add3A_665, %sub3A_666 : i32
      %add3A_668 = arith.addi %mul3A_2, %sub3A_667 : i32
      %dma_wait3A_669 = arith.constant 0 : i32
      %dma_wait3A_670 = arith.constant 0 : i32
      %dma_wait3A_671 = arith.constant 0 : i32
      %dma_wait3A_672 = tpu.memref_slice %arg6[%dma_wait3A_669, %dma_wait3A_670, %dma_wait3A_671] : memref<4x200x64xf32, #tpu.memory_space<vmem>> -> memref<1x200x64xf32, #tpu.memory_space<vmem>>
      %dma_wait3A_673 = tpu.memref_squeeze %dma_wait3A_672 : memref<1x200x64xf32, #tpu.memory_space<vmem>> -> memref<200x64xf32, #tpu.memory_space<vmem>>
      %dma_wait3A_674 = arith.constant 0 : i32
      %dma_wait3A_675 = arith.constant 0 : i32
      %dma_wait3A_676 = tpu.memref_slice %arg4[%add3A_668, %dma_wait3A_674, %dma_wait3A_675] : memref<4096x200x64xf32, #tpu.memory_space<hbm>> -> memref<1x200x64xf32, #tpu.memory_space<hbm>>
      %dma_wait3A_677 = tpu.memref_squeeze %dma_wait3A_676 : memref<1x200x64xf32, #tpu.memory_space<hbm>> -> memref<200x64xf32, #tpu.memory_space<hbm>>
      %dma_wait3A_678 = arith.constant 0 : i32
      %dma_wait3A_679 = arith.constant 0 : i32
      %dma_wait3A_680 = tpu.memref_slice %arg4[%add3A_668, %dma_wait3A_678, %dma_wait3A_679] : memref<4096x200x64xf32, #tpu.memory_space<hbm>> -> memref<1x200x64xf32, #tpu.memory_space<hbm>>
      %dma_wait3A_681 = tpu.memref_squeeze %dma_wait3A_680 : memref<1x200x64xf32, #tpu.memory_space<hbm>> -> memref<200x64xf32, #tpu.memory_space<hbm>>
      %dma_wait3A_682 = arith.constant 0 : i32
      %dma_wait3A_683 = arith.constant 0 : i32
      %dma_wait3A_684 = tpu.memref_slice %arg6[%dma_wait3A_669, %dma_wait3A_682, %dma_wait3A_683] : memref<4x200x64xf32, #tpu.memory_space<vmem>> -> memref<1x200x64xf32, #tpu.memory_space<vmem>>
      %dma_wait3A_685 = tpu.memref_squeeze %dma_wait3A_684 : memref<1x200x64xf32, #tpu.memory_space<vmem>> -> memref<200x64xf32, #tpu.memory_space<vmem>>
      tpu.wait_dma2 semaphore(%arg11 : memref<!tpu.dma_semaphore, #tpu.memory_space<semaphore_mem>>) src(%dma_wait3A_685 : memref<200x64xf32, #tpu.memory_space<vmem>>) dst(%dma_wait3A_681 : memref<200x64xf32, #tpu.memory_space<hbm>>)
      %dma_start3A_686 = arith.constant 0 : i32
      %dma_start3A_687 = arith.constant 0 : i32
      %dma_start3A_688 = arith.constant 0 : i32
      %dma_start3A_689 = tpu.memref_slice %arg6[%dma_start3A_686, %dma_start3A_687, %dma_start3A_688] : memref<4x200x64xf32, #tpu.memory_space<vmem>> -> memref<1x200x64xf32, #tpu.memory_space<vmem>>
      %dma_start3A_690 = tpu.memref_squeeze %dma_start3A_689 : memref<1x200x64xf32, #tpu.memory_space<vmem>> -> memref<200x64xf32, #tpu.memory_space<vmem>>
      %dma_start3A_691 = arith.constant 0 : i32
      %dma_start3A_692 = tpu.memref_slice %arg5[%add3A_665, %dma_start3A_691] : memref<128x200xi32, #tpu.memory_space<vmem>> -> memref<1x200xi32, #tpu.memory_space<vmem>>
      %dma_start3A_693 = tpu.memref_squeeze %dma_start3A_692 : memref<1x200xi32, #tpu.memory_space<vmem>> -> memref<200xi32, #tpu.memory_space<vmem>>
      %dma_start3A_694 = arith.constant 0 : i32
      %dma_start3A_695 = arith.constant 0 : i32
      %dma_start3A_696 = tpu.memref_slice %arg3[%dma_start3A_694, %dma_start3A_695] : memref<1000000x64xf32, #tpu.memory_space<hbm>> -> memref<1000000x64xf32, #tpu.memory_space<hbm>>
      tpu.enqueue_indirect_dma source(%dma_start3A_696 : memref<1000000x64xf32, #tpu.memory_space<hbm>>) target(%dma_start3A_690 : memref<200x64xf32, #tpu.memory_space<vmem>>) offsets(%dma_start3A_693 : memref<200xi32, #tpu.memory_space<vmem>>) semaphore(%arg7 : memref<!tpu.dma_semaphore, #tpu.memory_space<semaphore_mem>>)
      %add3A_697 = arith.constant 3 : i32
      %add3A_698 = arith.addi %add3A_505, %add3A_697 : i32
      %dma_wait3A_699 = arith.constant 3 : i32
      %dma_wait3A_700 = arith.constant 0 : i32
      %dma_wait3A_701 = arith.constant 0 : i32
      %dma_wait3A_702 = tpu.memref_slice %arg6[%dma_wait3A_699, %dma_wait3A_700, %dma_wait3A_701] : memref<4x200x64xf32, #tpu.memory_space<vmem>> -> memref<1x200x64xf32, #tpu.memory_space<vmem>>
      %dma_wait3A_703 = tpu.memref_squeeze %dma_wait3A_702 : memref<1x200x64xf32, #tpu.memory_space<vmem>> -> memref<200x64xf32, #tpu.memory_space<vmem>>
      %dma_wait3A_704 = arith.constant 0 : i32
      %dma_wait3A_705 = tpu.memref_slice %arg5[%add3A_698, %dma_wait3A_704] : memref<128x200xi32, #tpu.memory_space<vmem>> -> memref<1x200xi32, #tpu.memory_space<vmem>>
      %dma_wait3A_706 = tpu.memref_squeeze %dma_wait3A_705 : memref<1x200xi32, #tpu.memory_space<vmem>> -> memref<200xi32, #tpu.memory_space<vmem>>
      %dma_wait3A_707 = arith.constant 0 : i32
      %dma_wait3A_708 = arith.constant 0 : i32
      %dma_wait3A_709 = tpu.memref_slice %arg3[%dma_wait3A_707, %dma_wait3A_708] : memref<1000000x64xf32, #tpu.memory_space<hbm>> -> memref<1000000x64xf32, #tpu.memory_space<hbm>>
      tpu.wait_indirect_dma semaphore(%arg10 : memref<!tpu.dma_semaphore, #tpu.memory_space<semaphore_mem>>) src(%dma_wait3A_709 : memref<1000000x64xf32, #tpu.memory_space<hbm>>) dst(%dma_wait3A_703 : memref<200x64xf32, #tpu.memory_space<vmem>>)
      %add3A_710 = arith.addi %mul3A_2, %add3A_698 : i32
      %dma_start3A_711 = arith.constant 3 : i32
      %dma_start3A_712 = arith.constant 0 : i32
      %dma_start3A_713 = arith.constant 0 : i32
      %dma_start3A_714 = tpu.memref_slice %arg6[%dma_start3A_711, %dma_start3A_712, %dma_start3A_713] : memref<4x200x64xf32, #tpu.memory_space<vmem>> -> memref<1x200x64xf32, #tpu.memory_space<vmem>>
      %dma_start3A_715 = tpu.memref_squeeze %dma_start3A_714 : memref<1x200x64xf32, #tpu.memory_space<vmem>> -> memref<200x64xf32, #tpu.memory_space<vmem>>
      %dma_start3A_716 = arith.constant 0 : i32
      %dma_start3A_717 = arith.constant 0 : i32
      %dma_start3A_718 = tpu.memref_slice %arg4[%add3A_710, %dma_start3A_716, %dma_start3A_717] : memref<4096x200x64xf32, #tpu.memory_space<hbm>> -> memref<1x200x64xf32, #tpu.memory_space<hbm>>
      %dma_start3A_719 = tpu.memref_squeeze %dma_start3A_718 : memref<1x200x64xf32, #tpu.memory_space<hbm>> -> memref<200x64xf32, #tpu.memory_space<hbm>>
      %dma_start3A_720 = arith.constant 0 : i32
      %dma_start3A_721 = arith.constant 0 : i32
      %dma_start3A_722 = tpu.memref_slice %arg4[%add3A_710, %dma_start3A_720, %dma_start3A_721] : memref<4096x200x64xf32, #tpu.memory_space<hbm>> -> memref<1x200x64xf32, #tpu.memory_space<hbm>>
      %dma_start3A_723 = tpu.memref_squeeze %dma_start3A_722 : memref<1x200x64xf32, #tpu.memory_space<hbm>> -> memref<200x64xf32, #tpu.memory_space<hbm>>
      %dma_start3A_724 = arith.constant 0 : i32
      %dma_start3A_725 = arith.constant 0 : i32
      %dma_start3A_726 = tpu.memref_slice %arg6[%dma_start3A_711, %dma_start3A_724, %dma_start3A_725] : memref<4x200x64xf32, #tpu.memory_space<vmem>> -> memref<1x200x64xf32, #tpu.memory_space<vmem>>
      %dma_start3A_727 = tpu.memref_squeeze %dma_start3A_726 : memref<1x200x64xf32, #tpu.memory_space<vmem>> -> memref<200x64xf32, #tpu.memory_space<vmem>>
      tpu.enqueue_dma source(%dma_start3A_727 : memref<200x64xf32, #tpu.memory_space<vmem>>) target(%dma_start3A_723 : memref<200x64xf32, #tpu.memory_space<hbm>>) target_semaphore(%arg14 : memref<!tpu.dma_semaphore, #tpu.memory_space<semaphore_mem>>)
      %add3A_728 = arith.constant 2 : i32
      %add3A_729 = arith.addi %add3A_698, %add3A_728 : i32
      %sub3A_730 = arith.constant 4 : i32
      %sub3A_731 = arith.subi %add3A_729, %sub3A_730 : i32
      %add3A_732 = arith.addi %mul3A_2, %sub3A_731 : i32
      %dma_wait3A_733 = arith.constant 1 : i32
      %dma_wait3A_734 = arith.constant 0 : i32
      %dma_wait3A_735 = arith.constant 0 : i32
      %dma_wait3A_736 = tpu.memref_slice %arg6[%dma_wait3A_733, %dma_wait3A_734, %dma_wait3A_735] : memref<4x200x64xf32, #tpu.memory_space<vmem>> -> memref<1x200x64xf32, #tpu.memory_space<vmem>>
      %dma_wait3A_737 = tpu.memref_squeeze %dma_wait3A_736 : memref<1x200x64xf32, #tpu.memory_space<vmem>> -> memref<200x64xf32, #tpu.memory_space<vmem>>
      %dma_wait3A_738 = arith.constant 0 : i32
      %dma_wait3A_739 = arith.constant 0 : i32
      %dma_wait3A_740 = tpu.memref_slice %arg4[%add3A_732, %dma_wait3A_738, %dma_wait3A_739] : memref<4096x200x64xf32, #tpu.memory_space<hbm>> -> memref<1x200x64xf32, #tpu.memory_space<hbm>>
      %dma_wait3A_741 = tpu.memref_squeeze %dma_wait3A_740 : memref<1x200x64xf32, #tpu.memory_space<hbm>> -> memref<200x64xf32, #tpu.memory_space<hbm>>
      %dma_wait3A_742 = arith.constant 0 : i32
      %dma_wait3A_743 = arith.constant 0 : i32
      %dma_wait3A_744 = tpu.memref_slice %arg4[%add3A_732, %dma_wait3A_742, %dma_wait3A_743] : memref<4096x200x64xf32, #tpu.memory_space<hbm>> -> memref<1x200x64xf32, #tpu.memory_space<hbm>>
      %dma_wait3A_745 = tpu.memref_squeeze %dma_wait3A_744 : memref<1x200x64xf32, #tpu.memory_space<hbm>> -> memref<200x64xf32, #tpu.memory_space<hbm>>
      %dma_wait3A_746 = arith.constant 0 : i32
      %dma_wait3A_747 = arith.constant 0 : i32
      %dma_wait3A_748 = tpu.memref_slice %arg6[%dma_wait3A_733, %dma_wait3A_746, %dma_wait3A_747] : memref<4x200x64xf32, #tpu.memory_space<vmem>> -> memref<1x200x64xf32, #tpu.memory_space<vmem>>
      %dma_wait3A_749 = tpu.memref_squeeze %dma_wait3A_748 : memref<1x200x64xf32, #tpu.memory_space<vmem>> -> memref<200x64xf32, #tpu.memory_space<vmem>>
      tpu.wait_dma2 semaphore(%arg12 : memref<!tpu.dma_semaphore, #tpu.memory_space<semaphore_mem>>) src(%dma_wait3A_749 : memref<200x64xf32, #tpu.memory_space<vmem>>) dst(%dma_wait3A_745 : memref<200x64xf32, #tpu.memory_space<hbm>>)
      %dma_start3A_750 = arith.constant 1 : i32
      %dma_start3A_751 = arith.constant 0 : i32
      %dma_start3A_752 = arith.constant 0 : i32
      %dma_start3A_753 = tpu.memref_slice %arg6[%dma_start3A_750, %dma_start3A_751, %dma_start3A_752] : memref<4x200x64xf32, #tpu.memory_space<vmem>> -> memref<1x200x64xf32, #tpu.memory_space<vmem>>
      %dma_start3A_754 = tpu.memref_squeeze %dma_start3A_753 : memref<1x200x64xf32, #tpu.memory_space<vmem>> -> memref<200x64xf32, #tpu.memory_space<vmem>>
      %dma_start3A_755 = arith.constant 0 : i32
      %dma_start3A_756 = tpu.memref_slice %arg5[%add3A_729, %dma_start3A_755] : memref<128x200xi32, #tpu.memory_space<vmem>> -> memref<1x200xi32, #tpu.memory_space<vmem>>
      %dma_start3A_757 = tpu.memref_squeeze %dma_start3A_756 : memref<1x200xi32, #tpu.memory_space<vmem>> -> memref<200xi32, #tpu.memory_space<vmem>>
      %dma_start3A_758 = arith.constant 0 : i32
      %dma_start3A_759 = arith.constant 0 : i32
      %dma_start3A_760 = tpu.memref_slice %arg3[%dma_start3A_758, %dma_start3A_759] : memref<1000000x64xf32, #tpu.memory_space<hbm>> -> memref<1000000x64xf32, #tpu.memory_space<hbm>>
      tpu.enqueue_indirect_dma source(%dma_start3A_760 : memref<1000000x64xf32, #tpu.memory_space<hbm>>) target(%dma_start3A_754 : memref<200x64xf32, #tpu.memory_space<vmem>>) offsets(%dma_start3A_757 : memref<200xi32, #tpu.memory_space<vmem>>) semaphore(%arg8 : memref<!tpu.dma_semaphore, #tpu.memory_space<semaphore_mem>>)
    }
    %scan3A_238 = arith.constant 30 : i32
    %dma_wait3A_239 = arith.constant 124 : i32
    %dma_wait3A_240 = arith.constant 0 : i32
    %dma_wait3A_241 = arith.constant 0 : i32
    %dma_wait3A_242 = arith.constant 0 : i32
    %dma_wait3A_243 = tpu.memref_slice %arg6[%dma_wait3A_240, %dma_wait3A_241, %dma_wait3A_242] : memref<4x200x64xf32, #tpu.memory_space<vmem>> -> memref<1x200x64xf32, #tpu.memory_space<vmem>>
    %dma_wait3A_244 = tpu.memref_squeeze %dma_wait3A_243 : memref<1x200x64xf32, #tpu.memory_space<vmem>> -> memref<200x64xf32, #tpu.memory_space<vmem>>
    %dma_wait3A_245 = arith.constant 0 : i32
    %dma_wait3A_246 = tpu.memref_slice %arg5[%dma_wait3A_239, %dma_wait3A_245] : memref<128x200xi32, #tpu.memory_space<vmem>> -> memref<1x200xi32, #tpu.memory_space<vmem>>
    %dma_wait3A_247 = tpu.memref_squeeze %dma_wait3A_246 : memref<1x200xi32, #tpu.memory_space<vmem>> -> memref<200xi32, #tpu.memory_space<vmem>>
    %dma_wait3A_248 = arith.constant 0 : i32
    %dma_wait3A_249 = arith.constant 0 : i32
    %dma_wait3A_250 = tpu.memref_slice %arg3[%dma_wait3A_248, %dma_wait3A_249] : memref<1000000x64xf32, #tpu.memory_space<hbm>> -> memref<1000000x64xf32, #tpu.memory_space<hbm>>
    tpu.wait_indirect_dma semaphore(%arg7 : memref<!tpu.dma_semaphore, #tpu.memory_space<semaphore_mem>>) src(%dma_wait3A_250 : memref<1000000x64xf32, #tpu.memory_space<hbm>>) dst(%dma_wait3A_244 : memref<200x64xf32, #tpu.memory_space<vmem>>)
    %add3A_251 = arith.constant 124 : i32
    %add3A_252 = arith.addi %mul3A_2, %add3A_251 : i32
    %dma_start3A_253 = arith.constant 0 : i32
    %dma_start3A_254 = arith.constant 0 : i32
    %dma_start3A_255 = arith.constant 0 : i32
    %dma_start3A_256 = tpu.memref_slice %arg6[%dma_start3A_253, %dma_start3A_254, %dma_start3A_255] : memref<4x200x64xf32, #tpu.memory_space<vmem>> -> memref<1x200x64xf32, #tpu.memory_space<vmem>>
    %dma_start3A_257 = tpu.memref_squeeze %dma_start3A_256 : memref<1x200x64xf32, #tpu.memory_space<vmem>> -> memref<200x64xf32, #tpu.memory_space<vmem>>
    %dma_start3A_258 = arith.constant 0 : i32
    %dma_start3A_259 = arith.constant 0 : i32
    %dma_start3A_260 = tpu.memref_slice %arg4[%add3A_252, %dma_start3A_258, %dma_start3A_259] : memref<4096x200x64xf32, #tpu.memory_space<hbm>> -> memref<1x200x64xf32, #tpu.memory_space<hbm>>
    %dma_start3A_261 = tpu.memref_squeeze %dma_start3A_260 : memref<1x200x64xf32, #tpu.memory_space<hbm>> -> memref<200x64xf32, #tpu.memory_space<hbm>>
    %dma_start3A_262 = arith.constant 0 : i32
    %dma_start3A_263 = arith.constant 0 : i32
    %dma_start3A_264 = tpu.memref_slice %arg4[%add3A_252, %dma_start3A_262, %dma_start3A_263] : memref<4096x200x64xf32, #tpu.memory_space<hbm>> -> memref<1x200x64xf32, #tpu.memory_space<hbm>>
    %dma_start3A_265 = tpu.memref_squeeze %dma_start3A_264 : memref<1x200x64xf32, #tpu.memory_space<hbm>> -> memref<200x64xf32, #tpu.memory_space<hbm>>
    %dma_start3A_266 = arith.constant 0 : i32
    %dma_start3A_267 = arith.constant 0 : i32
    %dma_start3A_268 = tpu.memref_slice %arg6[%dma_start3A_253, %dma_start3A_266, %dma_start3A_267] : memref<4x200x64xf32, #tpu.memory_space<vmem>> -> memref<1x200x64xf32, #tpu.memory_space<vmem>>
    %dma_start3A_269 = tpu.memref_squeeze %dma_start3A_268 : memref<1x200x64xf32, #tpu.memory_space<vmem>> -> memref<200x64xf32, #tpu.memory_space<vmem>>
    tpu.enqueue_dma source(%dma_start3A_269 : memref<200x64xf32, #tpu.memory_space<vmem>>) target(%dma_start3A_265 : memref<200x64xf32, #tpu.memory_space<hbm>>) target_semaphore(%arg11 : memref<!tpu.dma_semaphore, #tpu.memory_space<semaphore_mem>>)
    %add3A_270 = arith.constant 122 : i32
    %add3A_271 = arith.addi %mul3A_2, %add3A_270 : i32
    %dma_wait3A_272 = arith.constant 2 : i32
    %dma_wait3A_273 = arith.constant 0 : i32
    %dma_wait3A_274 = arith.constant 0 : i32
    %dma_wait3A_275 = tpu.memref_slice %arg6[%dma_wait3A_272, %dma_wait3A_273, %dma_wait3A_274] : memref<4x200x64xf32, #tpu.memory_space<vmem>> -> memref<1x200x64xf32, #tpu.memory_space<vmem>>
    %dma_wait3A_276 = tpu.memref_squeeze %dma_wait3A_275 : memref<1x200x64xf32, #tpu.memory_space<vmem>> -> memref<200x64xf32, #tpu.memory_space<vmem>>
    %dma_wait3A_277 = arith.constant 0 : i32
    %dma_wait3A_278 = arith.constant 0 : i32
    %dma_wait3A_279 = tpu.memref_slice %arg4[%add3A_271, %dma_wait3A_277, %dma_wait3A_278] : memref<4096x200x64xf32, #tpu.memory_space<hbm>> -> memref<1x200x64xf32, #tpu.memory_space<hbm>>
    %dma_wait3A_280 = tpu.memref_squeeze %dma_wait3A_279 : memref<1x200x64xf32, #tpu.memory_space<hbm>> -> memref<200x64xf32, #tpu.memory_space<hbm>>
    %dma_wait3A_281 = arith.constant 0 : i32
    %dma_wait3A_282 = arith.constant 0 : i32
    %dma_wait3A_283 = tpu.memref_slice %arg4[%add3A_271, %dma_wait3A_281, %dma_wait3A_282] : memref<4096x200x64xf32, #tpu.memory_space<hbm>> -> memref<1x200x64xf32, #tpu.memory_space<hbm>>
    %dma_wait3A_284 = tpu.memref_squeeze %dma_wait3A_283 : memref<1x200x64xf32, #tpu.memory_space<hbm>> -> memref<200x64xf32, #tpu.memory_space<hbm>>
    %dma_wait3A_285 = arith.constant 0 : i32
    %dma_wait3A_286 = arith.constant 0 : i32
    %dma_wait3A_287 = tpu.memref_slice %arg6[%dma_wait3A_272, %dma_wait3A_285, %dma_wait3A_286] : memref<4x200x64xf32, #tpu.memory_space<vmem>> -> memref<1x200x64xf32, #tpu.memory_space<vmem>>
    %dma_wait3A_288 = tpu.memref_squeeze %dma_wait3A_287 : memref<1x200x64xf32, #tpu.memory_space<vmem>> -> memref<200x64xf32, #tpu.memory_space<vmem>>
    tpu.wait_dma2 semaphore(%arg13 : memref<!tpu.dma_semaphore, #tpu.memory_space<semaphore_mem>>) src(%dma_wait3A_288 : memref<200x64xf32, #tpu.memory_space<vmem>>) dst(%dma_wait3A_284 : memref<200x64xf32, #tpu.memory_space<hbm>>)
    %dma_start3A_289 = arith.constant 126 : i32
    %dma_start3A_290 = arith.constant 2 : i32
    %dma_start3A_291 = arith.constant 0 : i32
    %dma_start3A_292 = arith.constant 0 : i32
    %dma_start3A_293 = tpu.memref_slice %arg6[%dma_start3A_290, %dma_start3A_291, %dma_start3A_292] : memref<4x200x64xf32, #tpu.memory_space<vmem>> -> memref<1x200x64xf32, #tpu.memory_space<vmem>>
    %dma_start3A_294 = tpu.memref_squeeze %dma_start3A_293 : memref<1x200x64xf32, #tpu.memory_space<vmem>> -> memref<200x64xf32, #tpu.memory_space<vmem>>
    %dma_start3A_295 = arith.constant 0 : i32
    %dma_start3A_296 = tpu.memref_slice %arg5[%dma_start3A_289, %dma_start3A_295] : memref<128x200xi32, #tpu.memory_space<vmem>> -> memref<1x200xi32, #tpu.memory_space<vmem>>
    %dma_start3A_297 = tpu.memref_squeeze %dma_start3A_296 : memref<1x200xi32, #tpu.memory_space<vmem>> -> memref<200xi32, #tpu.memory_space<vmem>>
    %dma_start3A_298 = arith.constant 0 : i32
    %dma_start3A_299 = arith.constant 0 : i32
    %dma_start3A_300 = tpu.memref_slice %arg3[%dma_start3A_298, %dma_start3A_299] : memref<1000000x64xf32, #tpu.memory_space<hbm>> -> memref<1000000x64xf32, #tpu.memory_space<hbm>>
    tpu.enqueue_indirect_dma source(%dma_start3A_300 : memref<1000000x64xf32, #tpu.memory_space<hbm>>) target(%dma_start3A_294 : memref<200x64xf32, #tpu.memory_space<vmem>>) offsets(%dma_start3A_297 : memref<200xi32, #tpu.memory_space<vmem>>) semaphore(%arg9 : memref<!tpu.dma_semaphore, #tpu.memory_space<semaphore_mem>>)
    %dma_wait3A_301 = arith.constant 125 : i32
    %dma_wait3A_302 = arith.constant 1 : i32
    %dma_wait3A_303 = arith.constant 0 : i32
    %dma_wait3A_304 = arith.constant 0 : i32
    %dma_wait3A_305 = tpu.memref_slice %arg6[%dma_wait3A_302, %dma_wait3A_303, %dma_wait3A_304] : memref<4x200x64xf32, #tpu.memory_space<vmem>> -> memref<1x200x64xf32, #tpu.memory_space<vmem>>
    %dma_wait3A_306 = tpu.memref_squeeze %dma_wait3A_305 : memref<1x200x64xf32, #tpu.memory_space<vmem>> -> memref<200x64xf32, #tpu.memory_space<vmem>>
    %dma_wait3A_307 = arith.constant 0 : i32
    %dma_wait3A_308 = tpu.memref_slice %arg5[%dma_wait3A_301, %dma_wait3A_307] : memref<128x200xi32, #tpu.memory_space<vmem>> -> memref<1x200xi32, #tpu.memory_space<vmem>>
    %dma_wait3A_309 = tpu.memref_squeeze %dma_wait3A_308 : memref<1x200xi32, #tpu.memory_space<vmem>> -> memref<200xi32, #tpu.memory_space<vmem>>
    %dma_wait3A_310 = arith.constant 0 : i32
    %dma_wait3A_311 = arith.constant 0 : i32
    %dma_wait3A_312 = tpu.memref_slice %arg3[%dma_wait3A_310, %dma_wait3A_311] : memref<1000000x64xf32, #tpu.memory_space<hbm>> -> memref<1000000x64xf32, #tpu.memory_space<hbm>>
    tpu.wait_indirect_dma semaphore(%arg8 : memref<!tpu.dma_semaphore, #tpu.memory_space<semaphore_mem>>) src(%dma_wait3A_312 : memref<1000000x64xf32, #tpu.memory_space<hbm>>) dst(%dma_wait3A_306 : memref<200x64xf32, #tpu.memory_space<vmem>>)
    %add3A_313 = arith.constant 125 : i32
    %add3A_314 = arith.addi %mul3A_2, %add3A_313 : i32
    %dma_start3A_315 = arith.constant 1 : i32
    %dma_start3A_316 = arith.constant 0 : i32
    %dma_start3A_317 = arith.constant 0 : i32
    %dma_start3A_318 = tpu.memref_slice %arg6[%dma_start3A_315, %dma_start3A_316, %dma_start3A_317] : memref<4x200x64xf32, #tpu.memory_space<vmem>> -> memref<1x200x64xf32, #tpu.memory_space<vmem>>
    %dma_start3A_319 = tpu.memref_squeeze %dma_start3A_318 : memref<1x200x64xf32, #tpu.memory_space<vmem>> -> memref<200x64xf32, #tpu.memory_space<vmem>>
    %dma_start3A_320 = arith.constant 0 : i32
    %dma_start3A_321 = arith.constant 0 : i32
    %dma_start3A_322 = tpu.memref_slice %arg4[%add3A_314, %dma_start3A_320, %dma_start3A_321] : memref<4096x200x64xf32, #tpu.memory_space<hbm>> -> memref<1x200x64xf32, #tpu.memory_space<hbm>>
    %dma_start3A_323 = tpu.memref_squeeze %dma_start3A_322 : memref<1x200x64xf32, #tpu.memory_space<hbm>> -> memref<200x64xf32, #tpu.memory_space<hbm>>
    %dma_start3A_324 = arith.constant 0 : i32
    %dma_start3A_325 = arith.constant 0 : i32
    %dma_start3A_326 = tpu.memref_slice %arg4[%add3A_314, %dma_start3A_324, %dma_start3A_325] : memref<4096x200x64xf32, #tpu.memory_space<hbm>> -> memref<1x200x64xf32, #tpu.memory_space<hbm>>
    %dma_start3A_327 = tpu.memref_squeeze %dma_start3A_326 : memref<1x200x64xf32, #tpu.memory_space<hbm>> -> memref<200x64xf32, #tpu.memory_space<hbm>>
    %dma_start3A_328 = arith.constant 0 : i32
    %dma_start3A_329 = arith.constant 0 : i32
    %dma_start3A_330 = tpu.memref_slice %arg6[%dma_start3A_315, %dma_start3A_328, %dma_start3A_329] : memref<4x200x64xf32, #tpu.memory_space<vmem>> -> memref<1x200x64xf32, #tpu.memory_space<vmem>>
    %dma_start3A_331 = tpu.memref_squeeze %dma_start3A_330 : memref<1x200x64xf32, #tpu.memory_space<vmem>> -> memref<200x64xf32, #tpu.memory_space<vmem>>
    tpu.enqueue_dma source(%dma_start3A_331 : memref<200x64xf32, #tpu.memory_space<vmem>>) target(%dma_start3A_327 : memref<200x64xf32, #tpu.memory_space<hbm>>) target_semaphore(%arg12 : memref<!tpu.dma_semaphore, #tpu.memory_space<semaphore_mem>>)
    %add3A_332 = arith.constant 123 : i32
    %add3A_333 = arith.addi %mul3A_2, %add3A_332 : i32
    %dma_wait3A_334 = arith.constant 3 : i32
    %dma_wait3A_335 = arith.constant 0 : i32
    %dma_wait3A_336 = arith.constant 0 : i32
    %dma_wait3A_337 = tpu.memref_slice %arg6[%dma_wait3A_334, %dma_wait3A_335, %dma_wait3A_336] : memref<4x200x64xf32, #tpu.memory_space<vmem>> -> memref<1x200x64xf32, #tpu.memory_space<vmem>>
    %dma_wait3A_338 = tpu.memref_squeeze %dma_wait3A_337 : memref<1x200x64xf32, #tpu.memory_space<vmem>> -> memref<200x64xf32, #tpu.memory_space<vmem>>
    %dma_wait3A_339 = arith.constant 0 : i32
    %dma_wait3A_340 = arith.constant 0 : i32
    %dma_wait3A_341 = tpu.memref_slice %arg4[%add3A_333, %dma_wait3A_339, %dma_wait3A_340] : memref<4096x200x64xf32, #tpu.memory_space<hbm>> -> memref<1x200x64xf32, #tpu.memory_space<hbm>>
    %dma_wait3A_342 = tpu.memref_squeeze %dma_wait3A_341 : memref<1x200x64xf32, #tpu.memory_space<hbm>> -> memref<200x64xf32, #tpu.memory_space<hbm>>
    %dma_wait3A_343 = arith.constant 0 : i32
    %dma_wait3A_344 = arith.constant 0 : i32
    %dma_wait3A_345 = tpu.memref_slice %arg4[%add3A_333, %dma_wait3A_343, %dma_wait3A_344] : memref<4096x200x64xf32, #tpu.memory_space<hbm>> -> memref<1x200x64xf32, #tpu.memory_space<hbm>>
    %dma_wait3A_346 = tpu.memref_squeeze %dma_wait3A_345 : memref<1x200x64xf32, #tpu.memory_space<hbm>> -> memref<200x64xf32, #tpu.memory_space<hbm>>
    %dma_wait3A_347 = arith.constant 0 : i32
    %dma_wait3A_348 = arith.constant 0 : i32
    %dma_wait3A_349 = tpu.memref_slice %arg6[%dma_wait3A_334, %dma_wait3A_347, %dma_wait3A_348] : memref<4x200x64xf32, #tpu.memory_space<vmem>> -> memref<1x200x64xf32, #tpu.memory_space<vmem>>
    %dma_wait3A_350 = tpu.memref_squeeze %dma_wait3A_349 : memref<1x200x64xf32, #tpu.memory_space<vmem>> -> memref<200x64xf32, #tpu.memory_space<vmem>>
    tpu.wait_dma2 semaphore(%arg14 : memref<!tpu.dma_semaphore, #tpu.memory_space<semaphore_mem>>) src(%dma_wait3A_350 : memref<200x64xf32, #tpu.memory_space<vmem>>) dst(%dma_wait3A_346 : memref<200x64xf32, #tpu.memory_space<hbm>>)
    %dma_start3A_351 = arith.constant 127 : i32
    %dma_start3A_352 = arith.constant 3 : i32
    %dma_start3A_353 = arith.constant 0 : i32
    %dma_start3A_354 = arith.constant 0 : i32
    %dma_start3A_355 = tpu.memref_slice %arg6[%dma_start3A_352, %dma_start3A_353, %dma_start3A_354] : memref<4x200x64xf32, #tpu.memory_space<vmem>> -> memref<1x200x64xf32, #tpu.memory_space<vmem>>
    %dma_start3A_356 = tpu.memref_squeeze %dma_start3A_355 : memref<1x200x64xf32, #tpu.memory_space<vmem>> -> memref<200x64xf32, #tpu.memory_space<vmem>>
    %dma_start3A_357 = arith.constant 0 : i32
    %dma_start3A_358 = tpu.memref_slice %arg5[%dma_start3A_351, %dma_start3A_357] : memref<128x200xi32, #tpu.memory_space<vmem>> -> memref<1x200xi32, #tpu.memory_space<vmem>>
    %dma_start3A_359 = tpu.memref_squeeze %dma_start3A_358 : memref<1x200xi32, #tpu.memory_space<vmem>> -> memref<200xi32, #tpu.memory_space<vmem>>
    %dma_start3A_360 = arith.constant 0 : i32
    %dma_start3A_361 = arith.constant 0 : i32
    %dma_start3A_362 = tpu.memref_slice %arg3[%dma_start3A_360, %dma_start3A_361] : memref<1000000x64xf32, #tpu.memory_space<hbm>> -> memref<1000000x64xf32, #tpu.memory_space<hbm>>
    tpu.enqueue_indirect_dma source(%dma_start3A_362 : memref<1000000x64xf32, #tpu.memory_space<hbm>>) target(%dma_start3A_356 : memref<200x64xf32, #tpu.memory_space<vmem>>) offsets(%dma_start3A_359 : memref<200xi32, #tpu.memory_space<vmem>>) semaphore(%arg10 : memref<!tpu.dma_semaphore, #tpu.memory_space<semaphore_mem>>)
    %dma_wait3A_363 = arith.constant 126 : i32
    %dma_wait3A_364 = arith.constant 2 : i32
    %dma_wait3A_365 = arith.constant 0 : i32
    %dma_wait3A_366 = arith.constant 0 : i32
    %dma_wait3A_367 = tpu.memref_slice %arg6[%dma_wait3A_364, %dma_wait3A_365, %dma_wait3A_366] : memref<4x200x64xf32, #tpu.memory_space<vmem>> -> memref<1x200x64xf32, #tpu.memory_space<vmem>>
    %dma_wait3A_368 = tpu.memref_squeeze %dma_wait3A_367 : memref<1x200x64xf32, #tpu.memory_space<vmem>> -> memref<200x64xf32, #tpu.memory_space<vmem>>
    %dma_wait3A_369 = arith.constant 0 : i32
    %dma_wait3A_370 = tpu.memref_slice %arg5[%dma_wait3A_363, %dma_wait3A_369] : memref<128x200xi32, #tpu.memory_space<vmem>> -> memref<1x200xi32, #tpu.memory_space<vmem>>
    %dma_wait3A_371 = tpu.memref_squeeze %dma_wait3A_370 : memref<1x200xi32, #tpu.memory_space<vmem>> -> memref<200xi32, #tpu.memory_space<vmem>>
    %dma_wait3A_372 = arith.constant 0 : i32
    %dma_wait3A_373 = arith.constant 0 : i32
    %dma_wait3A_374 = tpu.memref_slice %arg3[%dma_wait3A_372, %dma_wait3A_373] : memref<1000000x64xf32, #tpu.memory_space<hbm>> -> memref<1000000x64xf32, #tpu.memory_space<hbm>>
    tpu.wait_indirect_dma semaphore(%arg9 : memref<!tpu.dma_semaphore, #tpu.memory_space<semaphore_mem>>) src(%dma_wait3A_374 : memref<1000000x64xf32, #tpu.memory_space<hbm>>) dst(%dma_wait3A_368 : memref<200x64xf32, #tpu.memory_space<vmem>>)
    %add3A_375 = arith.constant 126 : i32
    %add3A_376 = arith.addi %mul3A_2, %add3A_375 : i32
    %dma_start3A_377 = arith.constant 2 : i32
    %dma_start3A_378 = arith.constant 0 : i32
    %dma_start3A_379 = arith.constant 0 : i32
    %dma_start3A_380 = tpu.memref_slice %arg6[%dma_start3A_377, %dma_start3A_378, %dma_start3A_379] : memref<4x200x64xf32, #tpu.memory_space<vmem>> -> memref<1x200x64xf32, #tpu.memory_space<vmem>>
    %dma_start3A_381 = tpu.memref_squeeze %dma_start3A_380 : memref<1x200x64xf32, #tpu.memory_space<vmem>> -> memref<200x64xf32, #tpu.memory_space<vmem>>
    %dma_start3A_382 = arith.constant 0 : i32
    %dma_start3A_383 = arith.constant 0 : i32
    %dma_start3A_384 = tpu.memref_slice %arg4[%add3A_376, %dma_start3A_382, %dma_start3A_383] : memref<4096x200x64xf32, #tpu.memory_space<hbm>> -> memref<1x200x64xf32, #tpu.memory_space<hbm>>
    %dma_start3A_385 = tpu.memref_squeeze %dma_start3A_384 : memref<1x200x64xf32, #tpu.memory_space<hbm>> -> memref<200x64xf32, #tpu.memory_space<hbm>>
    %dma_start3A_386 = arith.constant 0 : i32
    %dma_start3A_387 = arith.constant 0 : i32
    %dma_start3A_388 = tpu.memref_slice %arg4[%add3A_376, %dma_start3A_386, %dma_start3A_387] : memref<4096x200x64xf32, #tpu.memory_space<hbm>> -> memref<1x200x64xf32, #tpu.memory_space<hbm>>
    %dma_start3A_389 = tpu.memref_squeeze %dma_start3A_388 : memref<1x200x64xf32, #tpu.memory_space<hbm>> -> memref<200x64xf32, #tpu.memory_space<hbm>>
    %dma_start3A_390 = arith.constant 0 : i32
    %dma_start3A_391 = arith.constant 0 : i32
    %dma_start3A_392 = tpu.memref_slice %arg6[%dma_start3A_377, %dma_start3A_390, %dma_start3A_391] : memref<4x200x64xf32, #tpu.memory_space<vmem>> -> memref<1x200x64xf32, #tpu.memory_space<vmem>>
    %dma_start3A_393 = tpu.memref_squeeze %dma_start3A_392 : memref<1x200x64xf32, #tpu.memory_space<vmem>> -> memref<200x64xf32, #tpu.memory_space<vmem>>
    tpu.enqueue_dma source(%dma_start3A_393 : memref<200x64xf32, #tpu.memory_space<vmem>>) target(%dma_start3A_389 : memref<200x64xf32, #tpu.memory_space<hbm>>) target_semaphore(%arg13 : memref<!tpu.dma_semaphore, #tpu.memory_space<semaphore_mem>>)
    %dma_wait3A_394 = arith.constant 127 : i32
    %dma_wait3A_395 = arith.constant 3 : i32
    %dma_wait3A_396 = arith.constant 0 : i32
    %dma_wait3A_397 = arith.constant 0 : i32
    %dma_wait3A_398 = tpu.memref_slice %arg6[%dma_wait3A_395, %dma_wait3A_396, %dma_wait3A_397] : memref<4x200x64xf32, #tpu.memory_space<vmem>> -> memref<1x200x64xf32, #tpu.memory_space<vmem>>
    %dma_wait3A_399 = tpu.memref_squeeze %dma_wait3A_398 : memref<1x200x64xf32, #tpu.memory_space<vmem>> -> memref<200x64xf32, #tpu.memory_space<vmem>>
    %dma_wait3A_400 = arith.constant 0 : i32
    %dma_wait3A_401 = tpu.memref_slice %arg5[%dma_wait3A_394, %dma_wait3A_400] : memref<128x200xi32, #tpu.memory_space<vmem>> -> memref<1x200xi32, #tpu.memory_space<vmem>>
    %dma_wait3A_402 = tpu.memref_squeeze %dma_wait3A_401 : memref<1x200xi32, #tpu.memory_space<vmem>> -> memref<200xi32, #tpu.memory_space<vmem>>
    %dma_wait3A_403 = arith.constant 0 : i32
    %dma_wait3A_404 = arith.constant 0 : i32
    %dma_wait3A_405 = tpu.memref_slice %arg3[%dma_wait3A_403, %dma_wait3A_404] : memref<1000000x64xf32, #tpu.memory_space<hbm>> -> memref<1000000x64xf32, #tpu.memory_space<hbm>>
    tpu.wait_indirect_dma semaphore(%arg10 : memref<!tpu.dma_semaphore, #tpu.memory_space<semaphore_mem>>) src(%dma_wait3A_405 : memref<1000000x64xf32, #tpu.memory_space<hbm>>) dst(%dma_wait3A_399 : memref<200x64xf32, #tpu.memory_space<vmem>>)
    %add3A_406 = arith.constant 127 : i32
    %add3A_407 = arith.addi %mul3A_2, %add3A_406 : i32
    %dma_start3A_408 = arith.constant 3 : i32
    %dma_start3A_409 = arith.constant 0 : i32
    %dma_start3A_410 = arith.constant 0 : i32
    %dma_start3A_411 = tpu.memref_slice %arg6[%dma_start3A_408, %dma_start3A_409, %dma_start3A_410] : memref<4x200x64xf32, #tpu.memory_space<vmem>> -> memref<1x200x64xf32, #tpu.memory_space<vmem>>
    %dma_start3A_412 = tpu.memref_squeeze %dma_start3A_411 : memref<1x200x64xf32, #tpu.memory_space<vmem>> -> memref<200x64xf32, #tpu.memory_space<vmem>>
    %dma_start3A_413 = arith.constant 0 : i32
    %dma_start3A_414 = arith.constant 0 : i32
    %dma_start3A_415 = tpu.memref_slice %arg4[%add3A_407, %dma_start3A_413, %dma_start3A_414] : memref<4096x200x64xf32, #tpu.memory_space<hbm>> -> memref<1x200x64xf32, #tpu.memory_space<hbm>>
    %dma_start3A_416 = tpu.memref_squeeze %dma_start3A_415 : memref<1x200x64xf32, #tpu.memory_space<hbm>> -> memref<200x64xf32, #tpu.memory_space<hbm>>
    %dma_start3A_417 = arith.constant 0 : i32
    %dma_start3A_418 = arith.constant 0 : i32
    %dma_start3A_419 = tpu.memref_slice %arg4[%add3A_407, %dma_start3A_417, %dma_start3A_418] : memref<4096x200x64xf32, #tpu.memory_space<hbm>> -> memref<1x200x64xf32, #tpu.memory_space<hbm>>
    %dma_start3A_420 = tpu.memref_squeeze %dma_start3A_419 : memref<1x200x64xf32, #tpu.memory_space<hbm>> -> memref<200x64xf32, #tpu.memory_space<hbm>>
    %dma_start3A_421 = arith.constant 0 : i32
    %dma_start3A_422 = arith.constant 0 : i32
    %dma_start3A_423 = tpu.memref_slice %arg6[%dma_start3A_408, %dma_start3A_421, %dma_start3A_422] : memref<4x200x64xf32, #tpu.memory_space<vmem>> -> memref<1x200x64xf32, #tpu.memory_space<vmem>>
    %dma_start3A_424 = tpu.memref_squeeze %dma_start3A_423 : memref<1x200x64xf32, #tpu.memory_space<vmem>> -> memref<200x64xf32, #tpu.memory_space<vmem>>
    tpu.enqueue_dma source(%dma_start3A_424 : memref<200x64xf32, #tpu.memory_space<vmem>>) target(%dma_start3A_420 : memref<200x64xf32, #tpu.memory_space<hbm>>) target_semaphore(%arg14 : memref<!tpu.dma_semaphore, #tpu.memory_space<semaphore_mem>>)
    %add3A_425 = arith.constant 124 : i32
    %add3A_426 = arith.addi %mul3A_2, %add3A_425 : i32
    %dma_wait3A_427 = arith.constant 0 : i32
    %dma_wait3A_428 = arith.constant 0 : i32
    %dma_wait3A_429 = arith.constant 0 : i32
    %dma_wait3A_430 = tpu.memref_slice %arg6[%dma_wait3A_427, %dma_wait3A_428, %dma_wait3A_429] : memref<4x200x64xf32, #tpu.memory_space<vmem>> -> memref<1x200x64xf32, #tpu.memory_space<vmem>>
    %dma_wait3A_431 = tpu.memref_squeeze %dma_wait3A_430 : memref<1x200x64xf32, #tpu.memory_space<vmem>> -> memref<200x64xf32, #tpu.memory_space<vmem>>
    %dma_wait3A_432 = arith.constant 0 : i32
    %dma_wait3A_433 = arith.constant 0 : i32
    %dma_wait3A_434 = tpu.memref_slice %arg4[%add3A_426, %dma_wait3A_432, %dma_wait3A_433] : memref<4096x200x64xf32, #tpu.memory_space<hbm>> -> memref<1x200x64xf32, #tpu.memory_space<hbm>>
    %dma_wait3A_435 = tpu.memref_squeeze %dma_wait3A_434 : memref<1x200x64xf32, #tpu.memory_space<hbm>> -> memref<200x64xf32, #tpu.memory_space<hbm>>
    %dma_wait3A_436 = arith.constant 0 : i32
    %dma_wait3A_437 = arith.constant 0 : i32
    %dma_wait3A_438 = tpu.memref_slice %arg4[%add3A_426, %dma_wait3A_436, %dma_wait3A_437] : memref<4096x200x64xf32, #tpu.memory_space<hbm>> -> memref<1x200x64xf32, #tpu.memory_space<hbm>>
    %dma_wait3A_439 = tpu.memref_squeeze %dma_wait3A_438 : memref<1x200x64xf32, #tpu.memory_space<hbm>> -> memref<200x64xf32, #tpu.memory_space<hbm>>
    %dma_wait3A_440 = arith.constant 0 : i32
    %dma_wait3A_441 = arith.constant 0 : i32
    %dma_wait3A_442 = tpu.memref_slice %arg6[%dma_wait3A_427, %dma_wait3A_440, %dma_wait3A_441] : memref<4x200x64xf32, #tpu.memory_space<vmem>> -> memref<1x200x64xf32, #tpu.memory_space<vmem>>
    %dma_wait3A_443 = tpu.memref_squeeze %dma_wait3A_442 : memref<1x200x64xf32, #tpu.memory_space<vmem>> -> memref<200x64xf32, #tpu.memory_space<vmem>>
    tpu.wait_dma2 semaphore(%arg11 : memref<!tpu.dma_semaphore, #tpu.memory_space<semaphore_mem>>) src(%dma_wait3A_443 : memref<200x64xf32, #tpu.memory_space<vmem>>) dst(%dma_wait3A_439 : memref<200x64xf32, #tpu.memory_space<hbm>>)
    %add3A_444 = arith.constant 125 : i32
    %add3A_445 = arith.addi %mul3A_2, %add3A_444 : i32
    %dma_wait3A_446 = arith.constant 1 : i32
    %dma_wait3A_447 = arith.constant 0 : i32
    %dma_wait3A_448 = arith.constant 0 : i32
    %dma_wait3A_449 = tpu.memref_slice %arg6[%dma_wait3A_446, %dma_wait3A_447, %dma_wait3A_448] : memref<4x200x64xf32, #tpu.memory_space<vmem>> -> memref<1x200x64xf32, #tpu.memory_space<vmem>>
    %dma_wait3A_450 = tpu.memref_squeeze %dma_wait3A_449 : memref<1x200x64xf32, #tpu.memory_space<vmem>> -> memref<200x64xf32, #tpu.memory_space<vmem>>
    %dma_wait3A_451 = arith.constant 0 : i32
    %dma_wait3A_452 = arith.constant 0 : i32
    %dma_wait3A_453 = tpu.memref_slice %arg4[%add3A_445, %dma_wait3A_451, %dma_wait3A_452] : memref<4096x200x64xf32, #tpu.memory_space<hbm>> -> memref<1x200x64xf32, #tpu.memory_space<hbm>>
    %dma_wait3A_454 = tpu.memref_squeeze %dma_wait3A_453 : memref<1x200x64xf32, #tpu.memory_space<hbm>> -> memref<200x64xf32, #tpu.memory_space<hbm>>
    %dma_wait3A_455 = arith.constant 0 : i32
    %dma_wait3A_456 = arith.constant 0 : i32
    %dma_wait3A_457 = tpu.memref_slice %arg4[%add3A_445, %dma_wait3A_455, %dma_wait3A_456] : memref<4096x200x64xf32, #tpu.memory_space<hbm>> -> memref<1x200x64xf32, #tpu.memory_space<hbm>>
    %dma_wait3A_458 = tpu.memref_squeeze %dma_wait3A_457 : memref<1x200x64xf32, #tpu.memory_space<hbm>> -> memref<200x64xf32, #tpu.memory_space<hbm>>
    %dma_wait3A_459 = arith.constant 0 : i32
    %dma_wait3A_460 = arith.constant 0 : i32
    %dma_wait3A_461 = tpu.memref_slice %arg6[%dma_wait3A_446, %dma_wait3A_459, %dma_wait3A_460] : memref<4x200x64xf32, #tpu.memory_space<vmem>> -> memref<1x200x64xf32, #tpu.memory_space<vmem>>
    %dma_wait3A_462 = tpu.memref_squeeze %dma_wait3A_461 : memref<1x200x64xf32, #tpu.memory_space<vmem>> -> memref<200x64xf32, #tpu.memory_space<vmem>>
    tpu.wait_dma2 semaphore(%arg12 : memref<!tpu.dma_semaphore, #tpu.memory_space<semaphore_mem>>) src(%dma_wait3A_462 : memref<200x64xf32, #tpu.memory_space<vmem>>) dst(%dma_wait3A_458 : memref<200x64xf32, #tpu.memory_space<hbm>>)
    %add3A_463 = arith.constant 126 : i32
    %add3A_464 = arith.addi %mul3A_2, %add3A_463 : i32
    %dma_wait3A_465 = arith.constant 2 : i32
    %dma_wait3A_466 = arith.constant 0 : i32
    %dma_wait3A_467 = arith.constant 0 : i32
    %dma_wait3A_468 = tpu.memref_slice %arg6[%dma_wait3A_465, %dma_wait3A_466, %dma_wait3A_467] : memref<4x200x64xf32, #tpu.memory_space<vmem>> -> memref<1x200x64xf32, #tpu.memory_space<vmem>>
    %dma_wait3A_469 = tpu.memref_squeeze %dma_wait3A_468 : memref<1x200x64xf32, #tpu.memory_space<vmem>> -> memref<200x64xf32, #tpu.memory_space<vmem>>
    %dma_wait3A_470 = arith.constant 0 : i32
    %dma_wait3A_471 = arith.constant 0 : i32
    %dma_wait3A_472 = tpu.memref_slice %arg4[%add3A_464, %dma_wait3A_470, %dma_wait3A_471] : memref<4096x200x64xf32, #tpu.memory_space<hbm>> -> memref<1x200x64xf32, #tpu.memory_space<hbm>>
    %dma_wait3A_473 = tpu.memref_squeeze %dma_wait3A_472 : memref<1x200x64xf32, #tpu.memory_space<hbm>> -> memref<200x64xf32, #tpu.memory_space<hbm>>
    %dma_wait3A_474 = arith.constant 0 : i32
    %dma_wait3A_475 = arith.constant 0 : i32
    %dma_wait3A_476 = tpu.memref_slice %arg4[%add3A_464, %dma_wait3A_474, %dma_wait3A_475] : memref<4096x200x64xf32, #tpu.memory_space<hbm>> -> memref<1x200x64xf32, #tpu.memory_space<hbm>>
    %dma_wait3A_477 = tpu.memref_squeeze %dma_wait3A_476 : memref<1x200x64xf32, #tpu.memory_space<hbm>> -> memref<200x64xf32, #tpu.memory_space<hbm>>
    %dma_wait3A_478 = arith.constant 0 : i32
    %dma_wait3A_479 = arith.constant 0 : i32
    %dma_wait3A_480 = tpu.memref_slice %arg6[%dma_wait3A_465, %dma_wait3A_478, %dma_wait3A_479] : memref<4x200x64xf32, #tpu.memory_space<vmem>> -> memref<1x200x64xf32, #tpu.memory_space<vmem>>
    %dma_wait3A_481 = tpu.memref_squeeze %dma_wait3A_480 : memref<1x200x64xf32, #tpu.memory_space<vmem>> -> memref<200x64xf32, #tpu.memory_space<vmem>>
    tpu.wait_dma2 semaphore(%arg13 : memref<!tpu.dma_semaphore, #tpu.memory_space<semaphore_mem>>) src(%dma_wait3A_481 : memref<200x64xf32, #tpu.memory_space<vmem>>) dst(%dma_wait3A_477 : memref<200x64xf32, #tpu.memory_space<hbm>>)
    %add3A_482 = arith.constant 127 : i32
    %add3A_483 = arith.addi %mul3A_2, %add3A_482 : i32
    %dma_wait3A_484 = arith.constant 3 : i32
    %dma_wait3A_485 = arith.constant 0 : i32
    %dma_wait3A_486 = arith.constant 0 : i32
    %dma_wait3A_487 = tpu.memref_slice %arg6[%dma_wait3A_484, %dma_wait3A_485, %dma_wait3A_486] : memref<4x200x64xf32, #tpu.memory_space<vmem>> -> memref<1x200x64xf32, #tpu.memory_space<vmem>>
    %dma_wait3A_488 = tpu.memref_squeeze %dma_wait3A_487 : memref<1x200x64xf32, #tpu.memory_space<vmem>> -> memref<200x64xf32, #tpu.memory_space<vmem>>
    %dma_wait3A_489 = arith.constant 0 : i32
    %dma_wait3A_490 = arith.constant 0 : i32
    %dma_wait3A_491 = tpu.memref_slice %arg4[%add3A_483, %dma_wait3A_489, %dma_wait3A_490] : memref<4096x200x64xf32, #tpu.memory_space<hbm>> -> memref<1x200x64xf32, #tpu.memory_space<hbm>>
    %dma_wait3A_492 = tpu.memref_squeeze %dma_wait3A_491 : memref<1x200x64xf32, #tpu.memory_space<hbm>> -> memref<200x64xf32, #tpu.memory_space<hbm>>
    %dma_wait3A_493 = arith.constant 0 : i32
    %dma_wait3A_494 = arith.constant 0 : i32
    %dma_wait3A_495 = tpu.memref_slice %arg4[%add3A_483, %dma_wait3A_493, %dma_wait3A_494] : memref<4096x200x64xf32, #tpu.memory_space<hbm>> -> memref<1x200x64xf32, #tpu.memory_space<hbm>>
    %dma_wait3A_496 = tpu.memref_squeeze %dma_wait3A_495 : memref<1x200x64xf32, #tpu.memory_space<hbm>> -> memref<200x64xf32, #tpu.memory_space<hbm>>
    %dma_wait3A_497 = arith.constant 0 : i32
    %dma_wait3A_498 = arith.constant 0 : i32
    %dma_wait3A_499 = tpu.memref_slice %arg6[%dma_wait3A_484, %dma_wait3A_497, %dma_wait3A_498] : memref<4x200x64xf32, #tpu.memory_space<vmem>> -> memref<1x200x64xf32, #tpu.memory_space<vmem>>
    %dma_wait3A_500 = tpu.memref_squeeze %dma_wait3A_499 : memref<1x200x64xf32, #tpu.memory_space<vmem>> -> memref<200x64xf32, #tpu.memory_space<vmem>>
    tpu.wait_dma2 semaphore(%arg14 : memref<!tpu.dma_semaphore, #tpu.memory_space<semaphore_mem>>) src(%dma_wait3A_500 : memref<200x64xf32, #tpu.memory_space<vmem>>) dst(%dma_wait3A_496 : memref<200x64xf32, #tpu.memory_space<hbm>>)
    return
  }
}

</mosaic_0001>

<sc_bundles>
// kernel: kernel.3.cloned.1.call-start
scs
__scs_entry_jumppad:
0x0: {  	(pc) =	sbr.rel $0x88, $3  }
0x1: {  	(tag) =	ssettag $0x0;
	lr =	simm.s32 $0x1  }
0x2: {  	[smem:$0x3F9F] =	sst lr;
	_ =	strace $0xD0000000  }
0x3: {  	_ = 	snop  }
0x4: {  	_ = 	snop  }
0x5: {  	_ = 	snop  }
0x6: {  	_ = 	snop  }
0x7: {  	_ = 	snop  }
__scs_overlays_trampoline_lowered:
0x8: {  	[smem:$0x3FAE] =	sst s0  }
0x9: {  	[smem:$0x3FAF] =	sst s1  }
0xa: {  	[smem:$0x3FB0] =	sst s2  }
0xb: {  	[smem:$0x3FB1] =	sst s3  }
0xc: {  	[smem:$0x3FB2] =	sst s4  }
0xd: {  	[smem:$0x3FB3] =	sst s5  }
0xe: {  	[smem:$0x3FB4] =	sst s6  }
0xf: {  	[smem:$0x3FB5] =	sst s7  }
0x10: {  	[smem:$0x3FB6] =	sst s8  }
0x11: {  	[smem:$0x3FB7] =	sst s9;
	s0 =	simm.s32 @!p0 $0x0  }
0x12: {  	s1 =	sld [smem:$0x3F9D];
	s0 =	simm.s32 @p0 $0x1  }
0x13: {  	[smem:$0x3FB8] =	sst s0;
	s0 =	simm.s32 @!p1 $0x0  }
0x14: {  	s2 =	sld [smem:$0x3F9C];
	s0 =	simm.s32 @p1 $0x1  }
0x15: {  	[smem:$0x3FB9] =	sst s0;
	s0 =	simm.s32 @!p2 $0x0  }
0x16: {  	s3 =	sld [smem:$0x3FDB];
	s0 =	simm.s32 @p2 $0x1  }
0x17: {  	s4 =	simm.s32 $0x1BF5;
	[smem:$0x3FBB] =	sst s0  }
0x18: {  	s0 =	sld [smem:$0x3F9E];
	_ =	swait.ge [sflag:s4], $0x0  }
0x19: {  	s7 =	sld [smem:$0x3F9F]  }
0x1a: {  	s8 =	sadd.s32 $0xFFFFE003, lr  }
0x1b: {  	s9 =	sadd.s32 $0xFFFFFEF7, lr;
	s5 =	simm.s32 $0xFFFFFFFF;
	p2 =	slt.u32 s8, $0xFFFFF086  }
0x1c: {  	p1 =	slt.u32 s9, $0xF7A;
	s5 =	simm.s32 @!p2 $0x0  }
0x1d: {  	s5 =	simm.s32 @p1 $0x1;
	p0 =	seq.s32 s7, s2  }
0x1e: {  	s7 =	smul.u32 @!p0 $0xF7A, s2;
	p2 =	seq.s32 @!p0 s5, $0x0  }
0x1f: {  	s9 =	smul.u32 $0xF7A, s1;
	s8 =	simm.s32 @!p0 $0x1BF5;
	p2 =	por !p2, p0  }
0x20: {  	[sflag:s8] =	ssyncset.s32 @!p0 $0xFFFFF086;
	s6 =	sadd.s32 @!p0 s3, s7;
	s7 =	simm.s32 @!p0 $0x108  }
0x21: {  	s3 =	sadd.s32 s3, s9;
	s6 =	sadd.s32 @!p0 $0x88, s6;
	s7 =	simm.s32 @p2 $0x1082  }
0x22: {  	[simem:s7], [sflag:s8] =	dma.local @!p0 [hbm:s6], $0xF7A  }
0x23: {  	s9 =	sor.u32 $0xD0000000, s2;
	s6 =	simm.s32 $0x108;
	_ =	swait.ge @!p0 [sflag:s8], $0x0  }
0x24: {  	s3 =	sadd.s32 $0x88, s3;
	s6 =	simm.s32 @!p1 $0x1082;
	[sflag:s4] =	ssyncset.s32 $0xFFFFF086  }
0x25: {  	[simem:s6], [sflag:s4] =	dma.local [hbm:s3], $0xF7A  }
0x26: {  	[smem:$0x3F9F] =	sst s1;
	(tag) =	ssettag s2;
	_ =	strace s9  }
0x27: {  	s1 =	sld [smem:$0x3FAF]  }
0x28: {  	s2 =	sld [smem:$0x3FB0]  }
0x29: {  	s4 =	sld [smem:$0x3FB2]  }
0x2a: {  	p0 =	seq.s32 s5, $0x0;
	s5 =	sld [smem:$0x3FB3]  }
0x2b: {  	s6 =	sld [smem:$0x3FB4]  }
0x2c: {  	s7 =	sld [smem:$0x3FB5]  }
0x2d: {  	s3 =	simm.s32 $0x108;
	s8 =	sld [smem:$0x3FB6]  }
0x2e: {  	s3 =	simm.s32 @!p0 $0x1082;
	s9 =	sld [smem:$0x3FB7]  }
0x2f: {  	lr =	sadd.s32 s0, s3;
	s0 =	sld [smem:$0x3FAE]  }
0x30: {  	s3 =	sld [smem:$0x3FB1]  }
0x31: {  	[smem:$0x3FBA] =	sst s10  }
0x32: {  	s10 =	sld [smem:$0x3FB8];
	_ =	sdelay $0x3  }
0x33: {  	p0 =	seq.s32 s10, $0x1;
	s10 =	sld [smem:$0x3FBA];
	_ =	sdelay $0x3  }
0x34: {  	[smem:$0x3FBA] =	sst s10  }
0x35: {  	s10 =	sld [smem:$0x3FB9];
	_ =	sdelay $0x3  }
0x36: {  	p1 =	seq.s32 s10, $0x1;
	s10 =	sld [smem:$0x3FBA];
	_ =	sdelay $0x3  }
0x37: {  	[smem:$0x3FBA] =	sst s10  }
0x38: {  	s10 =	sld [smem:$0x3FBB]  }
0x39: {  	_ = 	snop;
	(pc) =	sbr.ind lr, $3  }
0x3a: {  	_ = 	snop  }
0x3b: {  	_ = 	snop  }
0x3c: {  	p2 =	seq.s32 s10, $0x1;
	s10 =	sld [smem:$0x3FBA]  }
0x3d: {  	_ =	shalt  }
0x3e: {  	_ =	shalt  }
0x3f: {  	_ =	shalt  }
0x40: {  	_ =	shalt  }
0x41: {  	_ =	shalt  }
0x42: {  	_ =	shalt  }
0x43: {  	_ =	shalt  }
0x44: {  	_ =	shalt  }
0x45: {  	_ =	shalt  }
0x46: {  	_ =	shalt  }
0x47: {  	_ =	shalt  }
0x48: {  	_ =	shalt  }
0x49: {  	_ =	shalt  }
0x4a: {  	_ =	shalt  }
0x4b: {  	_ =	shalt  }
0x4c: {  	_ =	shalt  }
0x4d: {  	_ =	shalt  }
0x4e: {  	_ =	shalt  }
0x4f: {  	_ =	shalt  }
0x50: {  	_ =	shalt  }
0x51: {  	_ =	shalt  }
0x52: {  	_ =	shalt  }
0x53: {  	_ =	shalt  }
0x54: {  	_ =	shalt  }
0x55: {  	_ =	shalt  }
0x56: {  	_ =	shalt  }
0x57: {  	_ =	shalt  }
0x58: {  	_ =	shalt  }
0x59: {  	_ =	shalt  }
0x5a: {  	_ =	shalt  }
0x5b: {  	_ =	shalt  }
0x5c: {  	_ =	shalt  }
0x5d: {  	_ =	shalt  }
0x5e: {  	_ =	shalt  }
0x5f: {  	_ =	shalt  }
0x60: {  	_ =	shalt  }
0x61: {  	_ =	shalt  }
0x62: {  	_ =	shalt  }
0x63: {  	_ =	shalt  }
0x64: {  	_ =	shalt  }
0x65: {  	_ =	shalt  }
0x66: {  	_ =	shalt  }
0x67: {  	_ =	shalt  }
0x68: {  	_ =	shalt  }
0x69: {  	_ =	shalt  }
0x6a: {  	_ =	shalt  }
0x6b: {  	_ =	shalt  }
0x6c: {  	_ =	shalt  }
0x6d: {  	_ =	shalt  }
0x6e: {  	_ =	shalt  }
0x6f: {  	_ =	shalt  }
0x70: {  	_ =	shalt  }
0x71: {  	_ =	shalt  }
0x72: {  	_ =	shalt  }
0x73: {  	_ =	shalt  }
0x74: {  	_ =	shalt  }
0x75: {  	_ =	shalt  }
0x76: {  	_ =	shalt  }
0x77: {  	_ =	shalt  }
0x78: {  	_ =	shalt  }
0x79: {  	_ =	shalt  }
0x7a: {  	_ =	shalt  }
0x7b: {  	_ =	shalt  }
0x7c: {  	_ =	shalt  }
0x7d: {  	_ =	shalt  }
0x7e: {  	_ =	shalt  }
0x7f: {  	_ =	shalt  }
0x80: {  	_ =	shalt  }
0x81: {  	_ =	shalt  }
0x82: {  	_ =	shalt  }
0x83: {  	_ =	shalt  }
0x84: {  	_ =	shalt  }
0x85: {  	_ =	shalt  }
0x86: {  	_ =	shalt  }
0x87: {  	_ =	shalt  }
.Lfunc_end0:
.L_simem_size_0:
called_computation.1_lowered:
.L_overlay_start_0:
0x88: {  	s2 =	sld [smem:$0x3FD9]  }
0x89: {  	s3 =	sld [smem:$0x3FFE];
	_ =	sdelay $0x1  }
0x8a: {  	s1 =	srdreg.scid  }
0x8b: {  	s0 =	sand.u32 $0x1, s1  }
0x8c: {  	s17 =	sshll.u32 s0, $0xA;
	s2 =	sadd.s32 s3, s2  }
0x8d: {  	s2 =	sadd.s32 s2, s17  }
0x8e: {  	[smem:$0x3FC6] =	sst s2  }
0x8f: {  	_ = 	snop  }
0x90: {  	s2 =	sld [smem:$0x3FD0];
	(tm) =	ssettm $0x1  }
0x91: {  	s18 =	sld [smem:$0x3FFB];
	_ =	sdelay $0x3  }
0x92: {  	_ =	strace s18  }
0x93: {  	s3 =	sld [smem:$0x3FFC];
	_ =	sdelay $0x3  }
0x94: {  	_ =	strace s3  }
0x95: {  	s3 =	sld [smem:$0x3FFD];
	_ =	sdelay $0x3  }
0x96: {  	_ =	strace s3  }
0x97: {  	_ =	strace $0x8FFFFFFF  }
0x98: {  	s19 =	sld [smem:$0x3FDB];
	_ =	sdelay $0x1  }
0x99: {  	s4 =	simm.s32 $_scs_section_size  }
0x9a: {  	s5 =	simm.s32 $_size__tile_overlayer_lowered;
	s6 =	simm.s32 $_tile_overlayer_lowered  }
0x9b: {  	s22 =	simm.s32 $0x1BFF;
	s21 =	sshll.u32 s6, $0x1;
	s3 =	sadd.s32 s4, s19  }
0x9c: {  	s7 =	simm.s32 $0x0;
	s20 =	sshll.u32 s5, $0x1;
	s5 =	sadd.s32 s21, s3  }
0x9d: {  	[timem:s7], [sflag:s22] =	dma.local [hbm:s5], s20  }
0x9e: {  	_ =	swait.ge [sflag:s22], s20  }
0x9f: {  	s4 =	ssub.s32 $0x0, s20;
	[sflag:s22] =	ssyncset.done $0x0  }
0xa0: {  	[sflag:s22] =	ssyncadd.s32 s4;
	_ =	sdelay $0x1  }
0xa1: {  	s23 =	simm.s32 $0x1B8B  }
0xa2: {  	_ =	swait.ge [sflag:s23], $0x1  }
0xa3: {  	[sflag:s23] =	ssyncset.done $0x0  }
0xa4: {  	s25 =	simm.s32 $0x1B8E;
	s24 =	sld [smem:$0x3FFE];
	[sflag:s23] =	ssyncadd.s32 $0xFFFFFFFF  }
0xa5: {  	s26 =	simm.s32 $execute0_lowered;
	[smem:$0x3FD2] =	sst s25  }
0xa6: {  	s5 =	sshll.u32 s26, $0x1;
	_ =	strace $0x80000046;
	[dreg:$0x1] =	wrdreg $0xFFFFFFFF  }
0xa7: {  	s28 =	simm.s32 $_size_execute0_lowered;
	s3 =	sadd.s32 s3, s5;
	[dreg:$0x0] =	wrdreg $0x0  }
0xa8: {  	s5 =	sshll.u32 s28, $0x1;
	[dreg:$0x2] =	wrdreg s3  }
0xa9: {  	[dreg:$0x3] =	wrdreg s5  }
0xaa: {  	[dreg:$0x4] =	wrdreg $0xC0  }
0xab: {  	_ =	task [dreg:s7], $0x5FFFF  }
0xac: {  	[dreg:$0x1] =	wrdreg $0xFFFFFFFF  }
0xad: {  	[dreg:$0x0] =	wrdreg $0x60  }
0xae: {  	[dreg:$0x2] =	wrdreg s24  }
0xaf: {  	[dreg:$0x3] =	wrdreg s2  }
0xb0: {  	[dreg:$0x4] =	wrdreg $0x9  }
0xb1: {  	_ =	task.clear_ibuf [dreg:s7], $0x5FFFF;
	_ =	strace $0x90000046  }
0xb2: {  	s29 =	simm.s32 $0x9;
	_ =	strace $0x80000048  }
0xb3: {  	_ =	swait.ge [sflag:s29], $0x1  }
0xb4: {  	[sflag:s29] =	ssyncadd.s32 $0xFFFFFFFF  }
0xb5: {  	_ =	strace $0x90000048  }
0xb6: {  	_ =	sfence  }
0xb7: {  	s30 =	sld [smem:$0x0];
	_ =	sdelay $0x2  }
0xb8: {  	s31 =	sshll.u32 s1, $0xD;
	s1 =	sshrl.u32 s1, $0x2  }
0xb9: {  	s3 =	sand.u32 $0x4000, s31;
	s1 =	sadd.s32 s1, s30  }
0xba: {  	s0 =	sor.u32 s3, s0;
	s1 =	sshll.u32 s1, $0x11  }
0xbb: {  	s0 =	sor.u32 s1, s0  }
0xbc: {  	s0 =	sadd.s32 $0x8F2B, s0  }
0xbd: {  	[sflag:s0] =	ssyncadd.remote.s32 $0x1  }
0xbe: {  	_ =	sfence.sel $0xFFFF  }
0xbf: {  	[dreg:$0x0] =	wrdreg $0xFFFFFFFF;
	(pc) =	sbr.abs _section_cstart, $3  }
0xc0: {  	[dreg:$0x1] =	wrdreg $0xFFFFFFFF  }
0xc1: {  	_ =	task.clear_ibuf [dreg:s7], $0x2FFFF;
	_ =	strace $0x9FFFFFFF  }
0xc2: {  	(tm) =	ssettm $0x7FFFFFFF  }
0xc3: {  	_ =	shalt  }
tec
execute0_lowered:
.L_overlay_start_1:
0x0: {  	(tag) =	ssettag $0x1  }
0x1: {  	s0 =	srdreg.scid;
	s1 =	rddreg [dreg:$0x0]  }
0x2: {  	s9 =	stileid.u32;
	s10 =	rddreg [dreg:$0x1]  }
0x3: {  	s2 =	simm.s32 $0x0;
	s15 =	simm.s32 $0x9;
	s16 =	simm.s32 $0xC8  }
0x4: {  	s17 =	simm.s32 $0x6400;
	s18 =	simm.s32 $0x9600;
	s19 =	simm.s32 $0x1  }
0x5: {  	s21 =	simm.s32 $0xC800;
	s22 =	simm.s32 $0x2;
	s24 =	simm.s32 $0xFA00  }
0x6: {  	s25 =	simm.s32 $0x3;
	s29 =	simm.s32 $0x4;
	s30 =	simm.s32 $0x6  }
0x7: {  	s28 =	simm.s32 $0x0;
	s0 =	sand.u32 $0x1, s0;
	s3 =	sshll.u32 s9, $0x8  }
0x8: {  	[smem:$0x7FF] =	sst s2;
	s11 =	smul.u32 $0x64000, s9;
	s4 =	sshll.u32 s0, $0x7  }
0x9: {  	s6 =	ssub.s32 $0x2, s0;
	s0 =	smul.u32 $0x32000, s0;
	s4 =	sor.u32 s4, s3  }
0xa: {  	_ =	strace $0x80000047;
	s13 =	sadd.s32 s11, s10;
	s3 =	smul.u32 $0x19, s4  }
0xb: {  	s26 =	sshrl.u32 s6, $0x1;
	s7 =	smul.u32 $0x640, s4;
	s0 =	sadd.s32 s0, s13  }
0xc: {  	s8 =	smul.u32 $0x3200, s4;
	s14 =	sadd.s32 $0x1900, s0;
	s0 =	simm.s32 $0x8  }
0xd: {  	s5 =	sadd.s32 s3, s1;
	s3 =	sadd.s32 $0xF42E00, s1;
	s1 =	ssub.s32 s6, s26  }
0xe: {  	s8 =	sshrl.u32 s8, $0x3;
	s26 =	simm.s32 $0x5;
	s31 =	sadd.s32 $0xA00, s5  }
0xf: {  	s5 =	sadd.s32 s10, s7;
	s12 =	sadd.s32 s10, s8;
	s13 =	smax.u32 s1, $0x1  }
0x10: {  	s1 =	simm.s32 $0x7;
	[dreg:$0x3] =	wrdreg s31;
	s6 =	sadd.s32 $0x640, s5  }
0x11: {  	s7 =	sadd.s32 $0xC80, s5;
	s8 =	sadd.s32 $0x12C0, s5;
	s9 =	sadd.s32 $0x30700, s12  }
0x12: {  	s10 =	sadd.s32 $0x30D40, s12;
	s11 =	sadd.s32 $0x31380, s12;
	s12 =	sadd.s32 $0x319C0, s12  }
.LBB2_1:
0x13: {  	s4 =	rddreg [dreg:$0x3]  }
0x14: {  	[tilespmem:s2], [sflag:$0x9] =	stream.linear.gather [hbm4b:s4+s2], $0x6400, $0x38;
	[tilespmem:$0x12C00] =	vst v63  }
0x15: {  	_ =	swait.ge [sflag:s15], $0x6400  }
0x16: {  	[sflag:s15] =	ssyncset.done $0x0  }
0x17: {  	[sflag:s15] =	ssyncadd.s32 $0xFFFF9C00  }
0x18: {  	[tilespmem:s17], [sflag:$0x1] =	stream.indirect.gather [hbm4b:s3+s16], $0x40, s2, s16, $0xb8;
	[tilespmem:$0x12C00] =	vst v63  }
0x19: {  	_ = 	snop  }
0x1a: {  	[tilespmem:s18], [sflag:$0x2] =	stream.indirect.gather [hbm4b:s3+s16], $0x40, s16, s16, $0xb8;
	[tilespmem:$0x12C00] =	vst v63  }
0x1b: {  	_ =	swait.ge [sflag:s19], $0x3200  }
0x1c: {  	[sflag:s19] =	ssyncset.done $0x0  }
0x1d: {  	[sflag:s19] =	ssyncadd.s32 $0xFFFFCE00  }
0x1e: {  	[hbm4b:s5+s2] =	stream.linear.scatter [tilespmem:s17], [sflag:$0x5], $0x3200, $0x38;
	[tilespmem:$0x12C00] =	vst v63  }
0x1f: {  	s23 =	simm.s32 $0x190  }
0x20: {  	[tilespmem:s21], [sflag:$0x3] =	stream.indirect.gather [hbm4b:s3+s16], $0x40, s23, s16, $0xb8;
	[tilespmem:$0x12C00] =	vst v63  }
0x21: {  	_ =	swait.ge [sflag:s22], $0x3200  }
0x22: {  	[sflag:s22] =	ssyncset.done $0x0  }
0x23: {  	[sflag:s22] =	ssyncadd.s32 $0xFFFFCE00  }
0x24: {  	[hbm4b:s6+s2] =	stream.linear.scatter [tilespmem:s18], [sflag:$0x6], $0x3200, $0x38;
	[tilespmem:$0x12C00] =	vst v63  }
0x25: {  	s20 =	simm.s32 $0x258  }
0x26: {  	[tilespmem:s24], [sflag:$0x4] =	stream.indirect.gather [hbm4b:s3+s16], $0x40, s20, s16, $0xb8;
	[tilespmem:$0x12C00] =	vst v63  }
0x27: {  	_ =	swait.ge [sflag:s25], $0x3200  }
0x28: {  	[sflag:s25] =	ssyncset.done $0x0  }
0x29: {  	[sflag:s25] =	ssyncadd.s32 $0xFFFFCE00  }
0x2a: {  	[hbm4b:s7+s2] =	stream.linear.scatter [tilespmem:s21], [sflag:$0x7], $0x3200, $0x38;
	[tilespmem:$0x12C00] =	vst v63  }
0x2b: {  	_ =	swait.ge [sflag:s26], $0x3200  }
0x2c: {  	[sflag:s26] =	ssyncset.done $0x0  }
0x2d: {  	s23 =	simm.s32 $0x320;
	[sflag:s26] =	ssyncadd.s32 $0xFFFFCE00  }
0x2e: {  	[tilespmem:s17], [sflag:$0x1] =	stream.indirect.gather [hbm4b:s3+s16], $0x40, s23, s16, $0xb8;
	[tilespmem:$0x12C00] =	vst v63  }
0x2f: {  	_ =	swait.ge [sflag:s29], $0x3200  }
0x30: {  	[sflag:s29] =	ssyncset.done $0x0  }
0x31: {  	[sflag:s29] =	ssyncadd.s32 $0xFFFFCE00  }
0x32: {  	[hbm4b:s8+s2] =	stream.linear.scatter [tilespmem:s24], [sflag:$0x8], $0x3200, $0x38;
	[tilespmem:$0x12C00] =	vst v63  }
0x33: {  	_ =	swait.ge [sflag:s30], $0x3200  }
0x34: {  	[sflag:s30] =	ssyncset.done $0x0  }
0x35: {  	s20 =	simm.s32 $0x3E8;
	[sflag:s30] =	ssyncadd.s32 $0xFFFFCE00  }
0x36: {  	[tilespmem:s18], [sflag:$0x2] =	stream.indirect.gather [hbm4b:s3+s16], $0x40, s20, s16, $0xb8;
	[tilespmem:$0x12C00] =	vst v63  }
0x37: {  	_ =	swait.ge [sflag:s19], $0x3200  }
0x38: {  	[sflag:s19] =	ssyncset.done $0x0  }
0x39: {  	[sflag:s19] =	ssyncadd.s32 $0xFFFFCE00  }
0x3a: {  	[hbm4b:s14+s2] =	stream.linear.scatter [tilespmem:s17], [sflag:$0x5], $0x3200, $0x38;
	[tilespmem:$0x12C00] =	vst v63  }
0x3b: {  	_ =	swait.ge [sflag:s1], $0x3200  }
0x3c: {  	[sflag:s1] =	ssyncset.done $0x0  }
0x3d: {  	s20 =	simm.s32 $0x4B0;
	[sflag:s1] =	ssyncadd.s32 $0xFFFFCE00  }
0x3e: {  	[tilespmem:s21], [sflag:$0x3] =	stream.indirect.gather [hbm4b:s3+s16], $0x40, s20, s16, $0xb8;
	[tilespmem:$0x12C00] =	vst v63  }
0x3f: {  	_ =	swait.ge [sflag:s22], $0x3200  }
0x40: {  	[sflag:s22] =	ssyncset.done $0x0  }
0x41: {  	s23 =	sadd.s32 $0x640, s14;
	[sflag:s22] =	ssyncadd.s32 $0xFFFFCE00  }
0x42: {  	[hbm4b:s23+s2] =	stream.linear.scatter [tilespmem:s18], [sflag:$0x6], $0x3200, $0x38;
	[tilespmem:$0x12C00] =	vst v63  }
0x43: {  	_ =	swait.ge [sflag:s0], $0x3200  }
0x44: {  	[sflag:s0] =	ssyncset.done $0x0  }
0x45: {  	s4 =	simm.s32 $0x578;
	[sflag:s0] =	ssyncadd.s32 $0xFFFFCE00  }
0x46: {  	[tilespmem:s24], [sflag:$0x4] =	stream.indirect.gather [hbm4b:s3+s16], $0x40, s4, s16, $0xb8;
	[tilespmem:$0x12C00] =	vst v63  }
0x47: {  	_ =	swait.ge [sflag:s25], $0x3200  }
0x48: {  	[sflag:s25] =	ssyncset.done $0x0  }
0x49: {  	s23 =	sadd.s32 $0xC80, s14;
	[sflag:s25] =	ssyncadd.s32 $0xFFFFCE00  }
0x4a: {  	[hbm4b:s23+s2] =	stream.linear.scatter [tilespmem:s21], [sflag:$0x7], $0x3200, $0x38;
	[tilespmem:$0x12C00] =	vst v63  }
0x4b: {  	_ =	swait.ge [sflag:s26], $0x3200  }
0x4c: {  	[sflag:s26] =	ssyncset.done $0x0  }
0x4d: {  	s4 =	simm.s32 $0x640;
	[sflag:s26] =	ssyncadd.s32 $0xFFFFCE00  }
0x4e: {  	[tilespmem:s17], [sflag:$0x1] =	stream.indirect.gather [hbm4b:s3+s16], $0x40, s4, s16, $0xb8;
	[tilespmem:$0x12C00] =	vst v63  }
0x4f: {  	_ =	swait.ge [sflag:s29], $0x3200  }
0x50: {  	[sflag:s29] =	ssyncset.done $0x0  }
0x51: {  	s23 =	sadd.s32 $0x12C0, s14;
	[sflag:s29] =	ssyncadd.s32 $0xFFFFCE00  }
0x52: {  	[hbm4b:s23+s2] =	stream.linear.scatter [tilespmem:s24], [sflag:$0x8], $0x3200, $0x38;
	[tilespmem:$0x12C00] =	vst v63  }
0x53: {  	_ =	swait.ge [sflag:s30], $0x3200  }
0x54: {  	s31 =	simm.s32 $0xC80;
	[sflag:s30] =	ssyncset.done $0x0  }
0x55: {  	s20 =	sadd.s32 $0x1900, s14;
	s23 =	simm.s32 $0x708;
	[sflag:s30] =	ssyncadd.s32 $0xFFFFCE00  }
.LBB2_2:
0x56: {  	[tilespmem:s18], [sflag:$0x2] =	stream.indirect.gather [hbm4b:s3+s16], $0x40, s23, s16, $0xb8;
	[tilespmem:$0x12C00] =	vst v63  }
0x57: {  	s23 =	smov.u32 s31  }
0x58: {  	p0 =	sne.s32 s31, $0x16A80;
	s31 =	sadd.s32 $0xC80, s31;
	_ =	swait.ge [sflag:s19], $0x3200  }
0x59: {  	[sflag:s19] =	ssyncset.done $0x0  }
0x5a: {  	[sflag:s19] =	ssyncadd.s32 $0xFFFFCE00  }
0x5b: {  	[hbm4b:s20+s2] =	stream.linear.scatter [tilespmem:s17], [sflag:$0x5], $0x3200, $0x38;
	[tilespmem:$0x12C00] =	vst v63  }
0x5c: {  	_ =	swait.ge [sflag:s1], $0x3200  }
0x5d: {  	s23 =	sshra.s32 s23, $0x2;
	[sflag:s1] =	ssyncset.done $0x0  }
0x5e: {  	s4 =	sadd.s32 $0x4B0, s23;
	[sflag:s1] =	ssyncadd.s32 $0xFFFFCE00  }
0x5f: {  	[tilespmem:s21], [sflag:$0x3] =	stream.indirect.gather [hbm4b:s3+s16], $0x40, s4, s16, $0xb8;
	[tilespmem:$0x12C00] =	vst v63  }
0x60: {  	_ =	swait.ge [sflag:s22], $0x3200  }
0x61: {  	[sflag:s22] =	ssyncset.done $0x0  }
0x62: {  	s4 =	sadd.s32 $0x640, s20;
	[sflag:s22] =	ssyncadd.s32 $0xFFFFCE00  }
0x63: {  	[hbm4b:s4+s2] =	stream.linear.scatter [tilespmem:s18], [sflag:$0x6], $0x3200, $0x38;
	[tilespmem:$0x12C00] =	vst v63  }
0x64: {  	_ =	swait.ge [sflag:s0], $0x3200  }
0x65: {  	[sflag:s0] =	ssyncset.done $0x0  }
0x66: {  	s4 =	sadd.s32 $0x578, s23;
	[sflag:s0] =	ssyncadd.s32 $0xFFFFCE00  }
0x67: {  	[tilespmem:s24], [sflag:$0x4] =	stream.indirect.gather [hbm4b:s3+s16], $0x40, s4, s16, $0xb8;
	[tilespmem:$0x12C00] =	vst v63  }
0x68: {  	_ =	swait.ge [sflag:s25], $0x3200  }
0x69: {  	[sflag:s25] =	ssyncset.done $0x0  }
0x6a: {  	s4 =	sadd.s32 $0xC80, s20;
	[sflag:s25] =	ssyncadd.s32 $0xFFFFCE00  }
0x6b: {  	[hbm4b:s4+s2] =	stream.linear.scatter [tilespmem:s21], [sflag:$0x7], $0x3200, $0x38;
	[tilespmem:$0x12C00] =	vst v63  }
0x6c: {  	_ =	swait.ge [sflag:s26], $0x3200  }
0x6d: {  	[sflag:s26] =	ssyncset.done $0x0  }
0x6e: {  	s4 =	sadd.s32 $0x640, s23;
	[sflag:s26] =	ssyncadd.s32 $0xFFFFCE00  }
0x6f: {  	[tilespmem:s17], [sflag:$0x1] =	stream.indirect.gather [hbm4b:s3+s16], $0x40, s4, s16, $0xb8;
	[tilespmem:$0x12C00] =	vst v63  }
0x70: {  	_ =	swait.ge [sflag:s29], $0x3200  }
0x71: {  	[sflag:s29] =	ssyncset.done $0x0  }
.Ltmp0:
0x72: {  	s4 =	sadd.s32 $0x12C0, s20;
	[sflag:s29] =	ssyncadd.s32 $0xFFFFCE00;
	(pc) =	sbr.rel @p0 .LBB2_2-.Ltmp0, $4  }
0x73: {  	[hbm4b:s4+s2] =	stream.linear.scatter [tilespmem:s24], [sflag:$0x8], $0x3200, $0x38;
	[tilespmem:$0x12C00] =	vst v63  }
0x74: {  	_ =	swait.ge [sflag:s30], $0x3200  }
0x75: {  	[sflag:s30] =	ssyncset.done $0x0  }
0x76: {  	s23 =	sadd.s32 $0x708, s23;
	s20 =	sadd.s32 $0x1900, s20;
	[sflag:s30] =	ssyncadd.s32 $0xFFFFCE00  }
0x77: {  	[tilespmem:s18], [sflag:$0x2] =	stream.indirect.gather [hbm4b:s3+s16], $0x40, s23, s16, $0xb8;
	[tilespmem:$0x12C00] =	vst v63  }
0x78: {  	_ =	swait.ge [sflag:s19], $0x3200  }
0x79: {  	[sflag:s19] =	ssyncset.done $0x0  }
0x7a: {  	[sflag:s19] =	ssyncadd.s32 $0xFFFFCE00  }
0x7b: {  	[hbm4b:s9+s2] =	stream.linear.scatter [tilespmem:s17], [sflag:$0x5], $0x3200, $0x38;
	[tilespmem:$0x12C00] =	vst v63  }
0x7c: {  	_ =	swait.ge [sflag:s1], $0x3200  }
0x7d: {  	[sflag:s1] =	ssyncset.done $0x0  }
0x7e: {  	s4 =	simm.s32 $0x6270;
	[sflag:s1] =	ssyncadd.s32 $0xFFFFCE00  }
0x7f: {  	[tilespmem:s21], [sflag:$0x3] =	stream.indirect.gather [hbm4b:s3+s16], $0x40, s4, s16, $0xb8;
	[tilespmem:$0x12C00] =	vst v63  }
0x80: {  	_ =	swait.ge [sflag:s22], $0x3200  }
0x81: {  	[sflag:s22] =	ssyncset.done $0x0  }
0x82: {  	[sflag:s22] =	ssyncadd.s32 $0xFFFFCE00  }
0x83: {  	[hbm4b:s10+s2] =	stream.linear.scatter [tilespmem:s18], [sflag:$0x6], $0x3200, $0x38;
	[tilespmem:$0x12C00] =	vst v63  }
0x84: {  	_ =	swait.ge [sflag:s0], $0x3200  }
0x85: {  	[sflag:s0] =	ssyncset.done $0x0  }
0x86: {  	s31 =	simm.s32 $0x6338;
	[sflag:s0] =	ssyncadd.s32 $0xFFFFCE00  }
0x87: {  	[tilespmem:s24], [sflag:$0x4] =	stream.indirect.gather [hbm4b:s3+s16], $0x40, s31, s16, $0xb8;
	[tilespmem:$0x12C00] =	vst v63  }
0x88: {  	_ =	swait.ge [sflag:s25], $0x3200  }
0x89: {  	[sflag:s25] =	ssyncset.done $0x0  }
0x8a: {  	[sflag:s25] =	ssyncadd.s32 $0xFFFFCE00  }
0x8b: {  	[hbm4b:s11+s2] =	stream.linear.scatter [tilespmem:s21], [sflag:$0x7], $0x3200, $0x38;
	[tilespmem:$0x12C00] =	vst v63  }
0x8c: {  	_ =	swait.ge [sflag:s29], $0x3200  }
0x8d: {  	[sflag:s29] =	ssyncset.done $0x0  }
0x8e: {  	[sflag:s29] =	ssyncadd.s32 $0xFFFFCE00  }
0x8f: {  	[hbm4b:s12+s2] =	stream.linear.scatter [tilespmem:s24], [sflag:$0x8], $0x3200, $0x38;
	[tilespmem:$0x12C00] =	vst v63  }
0x90: {  	_ =	swait.ge [sflag:s26], $0x3200  }
0x91: {  	[sflag:s26] =	ssyncset.done $0x0  }
0x92: {  	[sflag:s26] =	ssyncadd.s32 $0xFFFFCE00  }
0x93: {  	_ =	swait.ge [sflag:s30], $0x3200  }
0x94: {  	[sflag:s30] =	ssyncset.done $0x0  }
0x95: {  	s28 =	sadd.s32 $0x1, s28;
	[sflag:s30] =	ssyncadd.s32 $0xFFFFCE00  }
0x96: {  	p0 =	sne.s32 s28, s13;
	_ =	swait.ge [sflag:s1], $0x3200  }
.Ltmp1:
0x97: {  	[sflag:s1] =	ssyncset.done $0x0;
	(pc) =	sbr.rel @p0 .LBB2_1-.Ltmp1, $4  }
0x98: {  	[sflag:s1] =	ssyncadd.s32 $0xFFFFCE00  }
0x99: {  	_ =	swait.ge [sflag:s0], $0x3200  }
0x9a: {  	[sflag:s0] =	ssyncset.done $0x0  }
0x9b: {  	[sflag:s0] =	ssyncadd.s32 $0xFFFFCE00  }
0x9c: {  	_ =	sfence.sel $0x180000  }
0x9d: {  	[bflag:$0x0] =	sbarrier.arrive $0xFFFF  }
0x9e: {  	_ =	strace $0x90000047  }
0x9f: {  	s0 =	stileid.u32;
	[bflag:$0x2] =	sbarrier.arrive $0xFFFF  }
0xa0: {  	p0 =	sne.s32 s0, $0x0;
	s0 =	rddreg [dreg:$0x2]  }
0xa1: {  	s0 =	sadd.s32 @!p0 $0x100000, s0  }
0xa2: {  	[sflag:s0] =	ssyncadd.tile.s32 @!p0 $0x1;
	_ =	shalt  }
.Lfunc_end2:
_tile_overlayer_lowered:
.L_overlay_start_2:
0xa3: {  	(tag) =	ssettag $0x2  }
0xa4: {  	s0 =	rddreg [dreg:$0x0];
	s2 =	stileid.u32  }
0xa5: {  	s1 =	rddreg [dreg:$0x1];
	p0 =	sne.s32 s2, $0x0  }
0xa6: {  	s3 =	rddreg [dreg:$0x2];
	[bflag:$0x3] =	sbarrier.arrive $0xFFFF;
	s2 =	simm.s32 @!p0 $0x1C09  }
0xa7: {  	[timem:s3], [sflag:s2] =	dma.local @!p0 [hbm:s0], s1  }
0xa8: {  	s0 =	simm.s32 @!p0 $0x9  }
0xa9: {  	_ =	swait.ge @!p0 [sflag:s0], s1  }
0xaa: {  	s1 =	ssub.s32 @!p0 $0x0, s1;
	[sflag:s0] =	ssyncset.done @!p0 $0x0  }
0xab: {  	[sflag:s0] =	ssyncadd.s32 @!p0 s1  }
0xac: {  	[bflag:$0x3] =	sbarrier.arrive $0xFFFF  }
0xad: {  	_ =	shalt  }

// kernel: sparse-core-data-format-call.cloned.1.call-start
scs
called_computation_lowered:
.L_overlay_start_0:
0x0: {  	s2 =	sld [smem:$0x3FD9]  }
0x1: {  	s3 =	sld [smem:$0x3FFE];
	_ =	sdelay $0x1  }
0x2: {  	s1 =	srdreg.scid  }
0x3: {  	s0 =	sand.u32 $0x1, s1  }
0x4: {  	s18 =	sshll.u32 s0, $0xA;
	s2 =	sadd.s32 s3, s2  }
0x5: {  	s2 =	sadd.s32 s2, s18  }
0x6: {  	[smem:$0x3FC6] =	sst s2  }
0x7: {  	_ = 	snop  }
0x8: {  	s2 =	sld [smem:$0x3FD0];
	(tm) =	ssettm $0x1  }
0x9: {  	s19 =	sld [smem:$0x3FFB];
	_ =	sdelay $0x3  }
0xa: {  	_ =	strace s19  }
0xb: {  	s3 =	sld [smem:$0x3FFC];
	_ =	sdelay $0x3  }
0xc: {  	_ =	strace s3  }
0xd: {  	s3 =	sld [smem:$0x3FFD];
	_ =	sdelay $0x3  }
0xe: {  	_ =	strace s3  }
0xf: {  	_ =	strace $0x8FFFFFFF  }
0x10: {  	s20 =	sld [smem:$0x3FDB];
	_ =	sdelay $0x1  }
0x11: {  	s4 =	simm.s32 $_scs_section_size  }
0x12: {  	s5 =	simm.s32 $_size__tile_overlayer_lowered;
	s6 =	simm.s32 $_tile_overlayer_lowered  }
0x13: {  	s23 =	simm.s32 $0x1BFF;
	s22 =	sshll.u32 s6, $0x1;
	s3 =	sadd.s32 s4, s20  }
0x14: {  	s7 =	simm.s32 $0x0;
	s21 =	sshll.u32 s5, $0x1;
	s5 =	sadd.s32 s22, s3  }
0x15: {  	[timem:s7], [sflag:s23] =	dma.local [hbm:s5], s21  }
0x16: {  	_ =	swait.ge [sflag:s23], s21  }
0x17: {  	s4 =	ssub.s32 $0x0, s21;
	[sflag:s23] =	ssyncset.done $0x0  }
0x18: {  	[sflag:s23] =	ssyncadd.s32 s4;
	_ =	sdelay $0x1  }
0x19: {  	s24 =	simm.s32 $0x1B8B  }
0x1a: {  	_ =	swait.ge [sflag:s24], $0x1  }
0x1b: {  	[sflag:s24] =	ssyncset.done $0x0  }
0x1c: {  	s26 =	simm.s32 $0x1B8E;
	s25 =	sld [smem:$0x3FFE];
	[sflag:s24] =	ssyncadd.s32 $0xFFFFFFFF  }
0x1d: {  	s27 =	simm.s32 $execute0_lowered;
	[smem:$0x3FD2] =	sst s26  }
0x1e: {  	s5 =	sshll.u32 s27, $0x1;
	_ =	strace $0x80000049;
	[dreg:$0x1] =	wrdreg $0xFFFFFFFF  }
0x1f: {  	s28 =	simm.s32 $_size_execute0_lowered;
	s3 =	sadd.s32 s3, s5;
	[dreg:$0x0] =	wrdreg $0x0  }
0x20: {  	s5 =	sshll.u32 s28, $0x1;
	[dreg:$0x2] =	wrdreg s3  }
0x21: {  	[dreg:$0x3] =	wrdreg s5  }
0x22: {  	[dreg:$0x4] =	wrdreg $0xC0  }
0x23: {  	_ =	task [dreg:s7], $0x5FFFF  }
0x24: {  	[dreg:$0x1] =	wrdreg $0xFFFFFFFF  }
0x25: {  	[dreg:$0x0] =	wrdreg $0x60  }
0x26: {  	[dreg:$0x2] =	wrdreg s25  }
0x27: {  	[dreg:$0x3] =	wrdreg s2  }
0x28: {  	[dreg:$0x4] =	wrdreg $0x9  }
0x29: {  	_ =	task.clear_ibuf [dreg:s7], $0x5FFFF;
	_ =	strace $0x90000049  }
0x2a: {  	s29 =	simm.s32 $0x9;
	_ =	strace $0x8000004B  }
0x2b: {  	_ =	swait.ge [sflag:s29], $0x1  }
0x2c: {  	[sflag:s29] =	ssyncadd.s32 $0xFFFFFFFF  }
0x2d: {  	_ =	strace $0x9000004B  }
0x2e: {  	_ =	sfence  }
0x2f: {  	s30 =	sld [smem:$0x0];
	_ =	sdelay $0x2  }
0x30: {  	s31 =	sshll.u32 s1, $0xD;
	s1 =	sshrl.u32 s1, $0x2  }
0x31: {  	s3 =	sand.u32 $0x4000, s31;
	s1 =	sadd.s32 s1, s30  }
0x32: {  	s0 =	sor.u32 s3, s0;
	s1 =	sshll.u32 s1, $0x11  }
0x33: {  	s0 =	sor.u32 s1, s0  }
0x34: {  	s0 =	sadd.s32 $0x8F2B, s0  }
0x35: {  	[sflag:s0] =	ssyncadd.remote.s32 $0x1  }
0x36: {  	_ =	sfence.sel $0xFFFF  }
0x37: {  	[dreg:$0x0] =	wrdreg $0xFFFFFFFF;
	(pc) =	sbr.abs _section_cstart, $3  }
0x38: {  	[dreg:$0x1] =	wrdreg $0xFFFFFFFF  }
0x39: {  	_ =	task.clear_ibuf [dreg:s7], $0x2FFFF;
	_ =	strace $0x9FFFFFFF  }
0x3a: {  	(tm) =	ssettm $0x7FFFFFFF  }
0x3b: {  	_ =	shalt  }
tec
execute0_lowered:
.L_overlay_start_1:
0x0: {  	(tag) =	ssettag $0x1  }
0x1: {  	s0 =	srdreg.scid  }
0x2: {  	s1 =	sshll.u32 s0, $0x4  }
0x3: {  	s0 =	stileid.u32;
	s1 =	sand.u32 $0x10, s1  }
0x4: {  	s1 =	sor.u32 s0, s1  }
0x5: {  	s6 =	rddreg [dreg:$0x0];
	s4 =	simm.s32 $0x1;
	s2 =	sshll.u32 s1, $0x7  }
0x6: {  	s7 =	simm.s32 $0x2;
	s12 =	simm.s32 $0x0;
	s1 =	ssub.s32 $0x1000, s2  }
0x7: {  	s8 =	simm.s32 $0x8000;
	s13 =	simm.s32 $0x0;
	s3 =	sand.u32 $0xF80, s1  }
0x8: {  	s9 =	simm.s32 $0x0;
	s5 =	sshrl.u32 s1, $0xC;
	p0 =	sne.s32 s3, $0x0  }
.Ltmp0:
0x9: {  	s1 =	rddreg [dreg:$0x2];
	s4 =	simm.s32 @!p0 $0x0;
	(pc) =	sbr.rel .LBB1_1-.Ltmp0, $4  }
0xa: {  	s11 =	simm.s32 $0x0;
	s3 =	rddreg [dreg:$0x1];
	s5 =	sadd.s32 s4, s5  }
0xb: {  	_ =	strace $0x8000004A;
	s4 =	simm.s32 $0x1;
	s5 =	smul.u32 $0xC8, s5  }
0xc: {  	s6 =	sadd.s32 $0xA00, s6;
	s10 =	smov.u32 s2;
	[sflag:s4] =	ssyncpa.u1 $0x0  }
0xd: {  	p0 =	por $0x0, $0x0;
	[sflag:s7] =	ssyncpa.u1 $0x0;
	s7 =	sor.u32 $0x1, s5  }
.LBB1_4:
0xe: {  	s16 =	sshll.u32 s13, $0x3;
	s17 =	sand.u32 $0x78, s13  }
0xf: {  	s30 =	sand.u32 $0x7E00, s13;
	s12 =	sshll.u32 s12, $0xF;
	s16 =	sand.u32 $0xC00, s16  }
0x10: {  	[tilespmem:s15+$0x810 ss:$0x81] =	vst.msk $0xffff, v2;
	s31 =	sand.u32 $0x7, s13;
	s16 =	sor.u32 s17, s16;
	s17 =	sadd.s32 s3, s30  }
0x11: {  	[tilespmem:s15+$0x1020 ss:$0x81] =	vst.msk $0xffff, v0;
	s13 =	sshll.u32 s31, $0x12;
	s12 =	sadd.s32 s12, s17;
	s16 =	sshrl.u32 s16, $0x3  }
0x12: {  	[tilespmem:s15+$0x0 ss:$0x81] =	vst.msk $0xffff, v1;
	s13 =	sor.u32 $0x400, s13;
	s12 =	sadd.s32 s16, s12  }
0x13: {  	[hbm4b:s12+s13] =	stream.strided.scatter [tilespmem:s14], [sflag:$0x2], $0x2000, s8, s13, $0x20;
	[tilespmem:$0x8080] =	vst v63  }
.LBB1_5:
0x14: {  	s14 =	sadd.s32 $0x1, s9  }
0x15: {  	s12 =	sadd.s32 $0x1000, s10;
	s16 =	smov.u32 s10;
	p2 =	sgt.s32 s14, $0xC7  }
0x16: {  	s16 =	smov.u32 @p2 s12  }
0x17: {  	s14 =	simm.s32 @p2 $0x0;
	p2 =	sgt.s32 s16, $0xFFF  }
0x18: {  	s16 =	smov.u32 @p2 s2;
	p2 =	sne.s32 s11, s7  }
.Ltmp1:
0x19: {  	p1 =	slt.u32 s11, $0x2;
	(pc) =	sbr.rel @!p2 .LBB1_6-.Ltmp1, $4  }
0x1a: {  	s15 =	simm.s32 @!p1 $0x2  }
0x1b: {  	s13 =	smov.u32 s10;
	p0 =	por !p0, !p0;
	_ =	swait.ge @!p1 [sflag:s15], $0x2000  }
0x1c: {  	s12 =	smov.u32 s9;
	[sflag:s15] =	ssyncset.done @!p1 $0x0;
	s9 =	smov.u32 s14  }
0x1d: {  	s11 =	sadd.s32 $0x1, s11;
	[sflag:s15] =	ssyncadd.s32 @!p1 $0xFFFFE000;
	s10 =	smov.u32 s16  }
.LBB1_1:
0x1e: {  	p1 =	sge.u32 s11, s5  }
0x1f: {  	s14 =	sand.u32 @!p1 $0x1FFFFFF, s9  }
0x20: {  	s15 =	smulhi.u32 @!p1 $0x147AE15, s14;
	_ =	sdelay $0x1  }
0x21: {  	s15 =	smul.u32 @!p1 $0xC8, s15  }
0x22: {  	s16 =	sxor.u32 @!p1 $0xFFFFFFFF, s11;
	s17 =	smul.u32 @!p1 $0xC80, s10  }
0x23: {  	s31 =	sadd.s32 $0xFFFFFFFF, s11;
	s16 =	sshll.u32 @!p1 s16, $0xD;
	s14 =	ssub.s32 @!p1 s14, s15  }
0x24: {  	s15 =	sand.u32 @!p1 $0x2000, s16;
	s16 =	sadd.s32 @!p1 s6, s17;
	s14 =	sshll.u32 @!p1 s14, $0x4  }
0x25: {  	s17 =	simm.s32 @!p1 $0x6400;
	s14 =	sadd.s32 @!p1 s14, s16;
	s16 =	simm.s32 @!p1 $0x40  }
0x26: {  	[tilespmem:s15], [sflag:$0x1] =	stream.strided.gather @!p1 [hbm4b:s14+s16], $0x2000, s17, s16, $0x38;
	[tilespmem:$0x8080] =	vst v63  }
0x27: {  	p1 =	sge.u32 s31, s5  }
.Ltmp2:
0x28: {  	_ = 	snop;
	(pc) =	sbr.rel @p1 .LBB1_5-.Ltmp2, $1  }
0x29: {  	_ =	sdelay $0x3  }
0x2a: {  	s14 =	simm.s32 $0x1  }
0x2b: {  	_ =	swait.ge [sflag:s4], $0x2000;
	s14 =	simm.s32 @!p0 $0x0  }
0x2c: {  	[sflag:s4] =	ssyncset.done $0x0;
	s15 =	sshll.u32 s14, $0xD  }
0x2d: {  	[sflag:s4] =	ssyncadd.s32 $0xFFFFE000;
	s18 =	sor.u32 $0x20, s15  }
0x2e: {  	s14 =	smul.u32 $0x8100, s14;
	v3 =	vld [tilespmem:s18+$0x10]  }
0x2f: {  	s30 =	sand.u32 $0x1, s11;
	v2 =	vld [tilespmem:s18+$0xFFFFFFF0]  }
0x30: {  	s15 =	smul.u32 $0x8100, s30;
	s14 =	sshrl.u32 s14, $0x2;
	v0 =	vld [tilespmem:s18+$0x0]  }
0x31: {  	v1 =	vld [tilespmem:s18+$0xFFFFFFE0];
	s16 =	sor.u32 $0x4000, s14  }
0x32: {  	s31 =	sshrl.u32 s15, $0x2;
	s15 =	sadd.s32 $0x0, s16  }
0x33: {  	s17 =	simm.s32 $0x4;
	s18 =	sadd.s32 $0x40, s18;
	s14 =	sor.u32 $0x4000, s31;
	[tilespmem:s15+$0x1830 ss:$0x81] =	vst.msk $0xffff, v3  }
.LBB1_3:
0x34: {  	v3 =	vld [tilespmem:s18+$0x10];
	p1 =	sne.s32 s17, $0x1FC;
	[tilespmem:s15+$0x810 ss:$0x81] =	vst.msk $0xffff, v2;
	s19 =	smov.u32 s17;
	s17 =	sadd.s32 $0x4, s17  }
.Ltmp3:
0x35: {  	v2 =	vld [tilespmem:s18+$0xFFFFFFF0];
	[tilespmem:s15+$0x1020 ss:$0x81] =	vst.msk $0xffff, v0;
	(pc) =	sbr.rel @p1 .LBB1_3-.Ltmp3, $4  }
0x36: {  	v0 =	vld [tilespmem:s18+$0x0];
	[tilespmem:s15+$0x0 ss:$0x81] =	vst.msk $0xffff, v1  }
0x37: {  	s15 =	sshra.s32 s19, $0x2;
	v1 =	vld [tilespmem:s18+$0xFFFFFFE0]  }
0x38: {  	s15 =	sadd.s32 s15, s16  }
0x39: {  	s18 =	sadd.s32 $0x40, s18;
	[tilespmem:s15+$0x1830 ss:$0x81] =	vst.msk $0xffff, v3  }
.Ltmp4:
0x3a: {  	_ = 	snop;
	(pc) =	sbr.rel .LBB1_4-.Ltmp4, $1  }
0x3b: {  	_ =	sdelay $0x3  }
.LBB1_6:
0x3c: {  	_ =	sfence.sel $0x180000  }
0x3d: {  	s2 =	simm.s32 $0x1;
	[bflag:$0x0] =	sbarrier.arrive $0xFFFF  }
0x3e: {  	s31 =	simm.s32 $0x2;
	[sflag:s2] =	ssyncpa.u1 $0x1  }
0x3f: {  	[sflag:s31] =	ssyncpa.u1 $0x1  }
0x40: {  	p0 =	sne.s32 s0, $0x0;
	_ =	strace $0x9000004A  }
0x41: {  	s0 =	sadd.s32 @!p0 $0x100000, s1;
	[bflag:$0x2] =	sbarrier.arrive $0xFFFF  }
0x42: {  	[sflag:s0] =	ssyncadd.tile.s32 @!p0 $0x1;
	_ =	shalt  }
.Lfunc_end1:
_tile_overlayer_lowered:
.L_overlay_start_2:
0x43: {  	(tag) =	ssettag $0x2  }
0x44: {  	s0 =	rddreg [dreg:$0x0];
	s2 =	stileid.u32  }
0x45: {  	s1 =	rddreg [dreg:$0x1];
	p0 =	sne.s32 s2, $0x0  }
0x46: {  	s3 =	rddreg [dreg:$0x2];
	[bflag:$0x3] =	sbarrier.arrive $0xFFFF;
	s2 =	simm.s32 @!p0 $0x1C01  }
0x47: {  	[timem:s3], [sflag:s2] =	dma.local @!p0 [hbm:s0], s1  }
0x48: {  	s0 =	simm.s32 @!p0 $0x1  }
0x49: {  	_ =	swait.ge @!p0 [sflag:s0], s1  }
0x4a: {  	s1 =	ssub.s32 @!p0 $0x0, s1;
	[sflag:s0] =	ssyncset.done @!p0 $0x0  }
0x4b: {  	[sflag:s0] =	ssyncadd.s32 @!p0 s1  }
0x4c: {  	[bflag:$0x3] =	sbarrier.arrive $0xFFFF  }
0x4d: {  	_ =	shalt  }

</sc_bundles>
